<compile_context>
chip_gen: v7x
topology: tpu7x:2x2x1
jax: 0.10.2.dev20260603
libtpu: 0.0.44.dev20260713+nightly
codegen_flags: <defaults>
</compile_context>

<pallas_src>
import functools

import jax
import jax.numpy as jnp
from jax import lax
from jax.experimental import pallas as pl
from jax.experimental.pallas import tpu as pltpu
from jax.experimental.pallas import tpu_sc as plsc

B, Q, C, CODE = 8, 5000, 10, 10
K = 300
N = Q * C
M = 512
NPAD = 50048
CHUNK = NPAD // 4
CAP_W = 192
CAP = 4 * CAP_W
LOCBUF = CAP_W + 16


def _keys(f32val):
    b32 = lax.bitcast_convert_type(f32val, jnp.int32)
    return jnp.where(b32 < 0, b32 ^ jnp.int32(0x7FFFFFFF), b32)



WIN_LO, WIN_HI = 384, 560


def _thresh_body(scores_ref, thr_ref, slo, shi, st, sf):
    key = _keys(scores_ref[...])
    lo0 = jnp.min(key, axis=1, keepdims=True)
    hi0 = jnp.max(key, axis=1, keepdims=True) + 1
    slo[...] = jnp.broadcast_to(lo0, (B, 128))
    shi[...] = jnp.broadcast_to(hi0, (B, 128))
    st[...] = jnp.broadcast_to(lo0, (B, 128))
    sf[...] = jnp.zeros((B, 128), jnp.int32)

    def cond(carry):
        it, af = carry
        return (it < 32) & ~af

    def body(carry):
        it, _ = carry
        lo = slo[...]
        hi = shi[...]
        mid = (lo >> 1) + (hi >> 1) + (lo & hi & 1)
        cnt1 = jnp.sum((key >= mid[:, 0:1]).astype(jnp.int32),
                       axis=1, keepdims=True)
        cnt = jnp.broadcast_to(cnt1, (B, 128))
        fnd = sf[...]
        ok = ((cnt >= WIN_LO) & (cnt <= WIN_HI)).astype(jnp.int32)
        st[...] = jnp.where((ok > 0) & (fnd == 0), mid, st[...])
        fnd = fnd | ok
        sf[...] = fnd
        pred = cnt >= M
        slo[...] = jnp.where(pred, mid, lo)
        shi[...] = jnp.where(pred, hi, mid)
        return it + 1, jnp.all(fnd > 0)

    lax.while_loop(cond, body, (jnp.int32(0), False))
    t = jnp.where(sf[...] > 0, st[...], slo[...])
    thr_ref[...] = t[:, 0:16]


def _stage_a(flat_scores):
    return pl.pallas_call(
        _thresh_body,
        out_shape=jax.ShapeDtypeStruct((B, 16), jnp.int32),
        scratch_shapes=[pltpu.VMEM((B, 128), jnp.int32) for _ in range(4)],
    )(flat_scores)



TAIL = N - 3 * CHUNK


def _stage_b(flat_scores, thr_flat):
    mesh = plsc.VectorSubcoreMesh(core_axis_name="c", subcore_axis_name="s")

    @functools.partial(
        pl.kernel,
        mesh=mesh,
        compiler_params=pltpu.CompilerParams(needs_layout_passes=False),
        out_type=[
            jax.ShapeDtypeStruct((B * CAP,), jnp.float32),
            jax.ShapeDtypeStruct((B * CAP,), jnp.int32),
        ],
        scratch_types=[
            pltpu.VMEM((CHUNK,), jnp.float32),
            pltpu.VMEM((LOCBUF,), jnp.float32),
            pltpu.VMEM((LOCBUF,), jnp.int32),
            pltpu.VMEM((16,), jnp.int32),
        ],
    )
    def sc_kernel(scores_hbm, thr_hbm, out_val_hbm, out_idx_hbm,
                  chunk_v, loc_val, loc_idx, thr_v):
        wid = lax.axis_index("s") * 2 + lax.axis_index("c")
        b = wid // 4
        q = wid % 4

        pltpu.sync_copy(scores_hbm.at[pl.ds(b * NPAD + q * CHUNK, CHUNK)],
                        chunk_v)
        pltpu.sync_copy(thr_hbm.at[pl.ds(b * 16, 16)], thr_v)
        tvec = thr_v[...]

        neg = jnp.full((16,), -1e30, jnp.float32)
        zero = jnp.zeros((16,), jnp.int32)
        for j in range(LOCBUF // 16):
            loc_val[pl.ds(j * 16, 16)] = neg
            loc_idx[pl.ds(j * 16, 16)] = zero

        iota16 = lax.iota(jnp.int32, 16)
        chunk_base = q * CHUNK

        def body(i, off):
            v = chunk_v[pl.ds(i * 16, 16)]
            key = _keys(v)
            m = key >= tvec
            cnt = plsc.all_reduce_population_count(m)[0]
            offc = jnp.minimum(off, CAP_W)
            plsc.store_compressed(loc_val.at[pl.ds(offc, 16)], v, mask=m)
            plsc.store_compressed(loc_idx.at[pl.ds(offc, 16)],
                                  iota16 + (chunk_base + i * 16), mask=m)
            return jnp.minimum(off + cnt, CAP_W)

        lax.fori_loop(0, CHUNK // 16, body, jnp.int32(0))

        dst = b * CAP + q * CAP_W
        pltpu.sync_copy(loc_val.at[pl.ds(0, CAP_W)],
                        out_val_hbm.at[pl.ds(dst, CAP_W)])
        pltpu.sync_copy(loc_idx.at[pl.ds(0, CAP_W)],
                        out_idx_hbm.at[pl.ds(dst, CAP_W)])

    return sc_kernel(flat_scores, thr_flat)



def _rank_body(probs_ref, idx_ref, bbox_ref, boxes_ref, scores_ref, labels_ref):
    p = probs_ref[0, 0, :]
    ii = idx_ref[0, 0, :]

    pj = p[:, None]
    pi = p[None, :]
    beats = (pj > pi) | ((pj == pi) & (ii[:, None] < ii[None, :]))
    ranks = jnp.sum(beats.astype(jnp.int32), axis=0)

    sel = (lax.broadcasted_iota(jnp.int32, (K, CAP), 0) == ranks[None, :])
    self_f = sel.astype(jnp.float32)
    scores = jnp.sum(self_f * p[None, :], axis=1)
    sel_idx = jnp.sum(self_f * ii.astype(jnp.float32)[None, :],
                      axis=1).astype(jnp.int32)

    labels = sel_idx % C
    queries = sel_idx // C

    onehot = (queries[:, None] ==
              lax.broadcasted_iota(jnp.int32, (K, Q), 1)).astype(jnp.float32)
    selrows = jnp.dot(onehot, bbox_ref[0], preferred_element_type=jnp.float32)

    x = selrows[:, 0]
    y = selrows[:, 1]
    z = selrows[:, 2]
    w = selrows[:, 3]
    l = selrows[:, 4]
    h = selrows[:, 5]
    yaw = jnp.arctan2(selrows[:, 6], selrows[:, 7])
    vx = selrows[:, 8]
    vy = selrows[:, 9]
    vz = jnp.zeros_like(x)
    boxes = jnp.stack([x, y, z, w, l, h, yaw, vx, vy, vz], axis=-1)

    boxes_ref[0] = boxes
    scores_ref[0, 0, :] = scores
    labels_ref[0, 0, :] = labels


def _stage_c(cand_probs, cand_idx, bbox_preds):
    return pl.pallas_call(
        _rank_body,
        grid=(B,),
        in_specs=[
            pl.BlockSpec((1, 1, CAP), lambda b: (b, 0, 0)),
            pl.BlockSpec((1, 1, CAP), lambda b: (b, 0, 0)),
            pl.BlockSpec((1, Q, CODE), lambda b: (b, 0, 0)),
        ],
        out_specs=[
            pl.BlockSpec((1, K, CODE), lambda b: (b, 0, 0)),
            pl.BlockSpec((1, 1, K), lambda b: (b, 0, 0)),
            pl.BlockSpec((1, 1, K), lambda b: (b, 0, 0)),
        ],
        out_shape=[
            jax.ShapeDtypeStruct((B, K, CODE), jnp.float32),
            jax.ShapeDtypeStruct((B, 1, K), jnp.float32),
            jax.ShapeDtypeStruct((B, 1, K), jnp.int32),
        ],
    )(cand_probs, cand_idx, bbox_preds)


def kernel(cls_scores, bbox_preds):
    flat = cls_scores.reshape(B, N)
    thr = _stage_a(flat)

    pad = jnp.pad(flat, ((0, 0), (0, NPAD - N)),
                  constant_values=-jnp.inf).reshape(-1)
    cand_val_flat, cand_idx_flat = _stage_b(pad, thr.reshape(-1))

    cand_logit = cand_val_flat.reshape(B, 1, CAP)
    cand_probs = jax.nn.sigmoid(cand_logit)
    cand_idx = cand_idx_flat.reshape(B, 1, CAP)

    boxes, scores, labels = _stage_c(cand_probs, cand_idx, bbox_preds)
    return boxes, scores.reshape(B, K), labels.reshape(B, K)

# --- scband reference (transcript-rebuilt; emitter-appended) ---
"""Pipeline reference for scband-sparse-box3-ddecoder-lite-62517543960667 (READ-ONLY COPY).

The authoritative reference and input builder live on the scoring server;
editing this copy changes nothing except your own understanding.
"""

import jax, jax.numpy as jnp
import numpy as np

B, Q, C, CODE = 8, 5000, 10, 10
MAX_DET = 300


def setup_inputs(seed: int = 0) -> dict:
    key = jax.random.key(seed)
    k1, k2 = jax.random.split(key)
    cls_scores = jax.random.normal(k1, (B, Q, C), dtype=jnp.float32)
    bbox_preds = jax.random.normal(k2, (B, Q, CODE), dtype=jnp.float32)
    return {"cls_scores": cls_scores, "bbox_preds": bbox_preds}


def _to_boxes10(raw_box):
    code_size = raw_box.shape[-1]
    x = raw_box[..., 0]
    y = raw_box[..., 1]
    z = raw_box[..., 2]
    w = raw_box[..., 3]
    l = raw_box[..., 4]
    h = raw_box[..., 5]
    if code_size >= 8:
        yaw = jnp.arctan2(raw_box[..., 6], raw_box[..., 7])
    elif code_size >= 7:
        yaw = raw_box[..., 6]
    else:
        yaw = jnp.zeros_like(x)
    vx = raw_box[..., 8] if code_size >= 9 else jnp.zeros_like(x)
    vy = raw_box[..., 9] if code_size >= 10 else jnp.zeros_like(x)
    vz = raw_box[..., 10] if code_size >= 11 else jnp.zeros_like(x)
    return jnp.stack([x, y, z, w, l, h, yaw, vx, vy, vz], axis=-1)


def reference(cls_scores, bbox_preds):
    batch_size, num_queries, num_classes = cls_scores.shape
    k = min(MAX_DET, num_queries * num_classes)
    probs = jax.nn.sigmoid(cls_scores)
    flat = probs.reshape(batch_size, -1)
    topk_scores, topk_indices = jax.lax.top_k(flat, k)
    topk_labels = (topk_indices % num_classes).astype(jnp.int64)
    topk_queries = topk_indices // num_classes
    # batched gather of selected query boxes: [B, k, CODE]
    selected = jnp.take_along_axis(bbox_preds, topk_queries[..., None], axis=1)
    boxes_3d = _to_boxes10(selected)
    return boxes_3d, topk_scores, topk_labels

if __name__ == "__main__":
    import jax
    _d = setup_inputs()
    print(jax.jit(kernel)(*tuple(_d.values())))

</pallas_src>

<mosaic_0001>
#map = affine_map<(d0, d1) -> (0)>
module attributes {stable_mosaic.version = 14 : i64} {
  func.func @sc_kernel(%arg0: i32, %arg1: i32, %arg2: memref<400384xf32, #tpu.memory_space<hbm>>, %arg3: memref<128xi32, #tpu.memory_space<hbm>>, %arg4: memref<6144xf32, #tpu.memory_space<hbm>>, %arg5: memref<6144xi32, #tpu.memory_space<hbm>>, %arg6: memref<12512xf32, #tpu.memory_space<vmem>>, %arg7: memref<208xf32, #tpu.memory_space<vmem>>, %arg8: memref<208xi32, #tpu.memory_space<vmem>>, %arg9: memref<16xi32, #tpu.memory_space<vmem>>) attributes {dimension_semantics = [#tpu.dimension_semantics<core_parallel>, #tpu.dimension_semantics<subcore_parallel>], iteration_bounds = array<i64: 2, 16>, scalar_prefetch = 0 : i64, scratch_operands = 4 : i64, tpu.core_type = #tpu.core_type<sc_vector_subcore>, window_params = [{transform_indices = #map}, {transform_indices = #map}, {transform_indices = #map}, {transform_indices = #map}]} {
    %mul3A = arith.constant 2 : i32
    %mul3A_0 = arith.muli %arg1, %mul3A : i32
    %add3A = arith.addi %mul3A_0, %arg0 : i32
    %jit3A = arith.constant 4 : i32
    %div3A = arith.divsi %add3A, %jit3A : i32
    %sign3A = arith.constant 0 : i32
    %sign3A_1 = arith.cmpi sgt, %add3A, %sign3A : i32
    %sign3A_2 = arith.extui %sign3A_1 : i1 to i32
    %sign3A_3 = arith.constant 0 : i32
    %sign3A_4 = arith.cmpi slt, %add3A, %sign3A_3 : i32
    %sign3A_5 = arith.extui %sign3A_4 : i1 to i32
    %sign3A_6 = arith.subi %sign3A_2, %sign3A_5 : i32
    %sign3A_7 = arith.constant 0 : i32
    %sign3A_8 = arith.cmpi sgt, %jit3A, %sign3A_7 : i32
    %sign3A_9 = arith.extui %sign3A_8 : i1 to i32
    %sign3A_10 = arith.constant 0 : i32
    %sign3A_11 = arith.cmpi slt, %jit3A, %sign3A_10 : i32
    %sign3A_12 = arith.extui %sign3A_11 : i1 to i32
    %sign3A_13 = arith.subi %sign3A_9, %sign3A_12 : i32
    %ne3A = arith.cmpi ne, %sign3A_6, %sign3A_13 : i32
    %rem3A = arith.remsi %add3A, %jit3A : i32
    %ne3A_14 = arith.constant 0 : i32
    %ne3A_15 = arith.cmpi ne, %rem3A, %ne3A_14 : i32
    %and3A = arith.andi %ne3A, %ne3A_15 : i1
    %sub3A = arith.constant 1 : i32
    %sub3A_16 = arith.subi %div3A, %sub3A : i32
    %select_n3A = arith.select %and3A, %sub3A_16, %div3A : i32
    %jit3A_17 = arith.constant 4 : i32
    %eq3A = arith.constant 0 : i32
    %eq3A_18 = arith.cmpi eq, %jit3A_17, %eq3A : i32
    %jit3A_19 = arith.constant 1 : i32
    %select_n3A_20 = arith.select %eq3A_18, %jit3A_19, %jit3A_17 : i32
    %rem3A_21 = arith.remsi %add3A, %select_n3A_20 : i32
    %ne3A_22 = arith.constant 0 : i32
    %ne3A_23 = arith.cmpi ne, %rem3A_21, %ne3A_22 : i32
    %lt3A = arith.constant 0 : i32
    %lt3A_24 = arith.cmpi slt, %rem3A_21, %lt3A : i32
    %lt3A_25 = arith.constant 0 : i32
    %lt3A_26 = arith.cmpi slt, %select_n3A_20, %lt3A_25 : i32
    %ne3A_27 = arith.xori %lt3A_24, %lt3A_26 : i1
    %and3A_28 = arith.andi %ne3A_27, %ne3A_23 : i1
    %add3A_29 = arith.addi %rem3A_21, %select_n3A_20 : i32
    %select_n3A_30 = arith.select %and3A_28, %add3A_29, %rem3A_21 : i32
    %mul3A_31 = arith.constant 50048 : i32
    %mul3A_32 = arith.muli %select_n3A, %mul3A_31 : i32
    %mul3A_33 = arith.constant 12512 : i32
    %mul3A_34 = arith.muli %select_n3A_30, %mul3A_33 : i32
    %add3A_35 = arith.addi %mul3A_32, %mul3A_34 : i32
    "tpu.region"() ({
      %run_scoped3A = tpu.sem_alloc : memref<!tpu.dma_semaphore, #tpu.memory_space<semaphore_mem>>
      %dma_start3A = tpu.memref_slice %arg2[%add3A_35] : memref<400384xf32, #tpu.memory_space<hbm>> -> memref<12512xf32, #tpu.memory_space<hbm>>
      %dma_start3A_106 = tpu.memref_slice %arg2[%add3A_35] : memref<400384xf32, #tpu.memory_space<hbm>> -> memref<12512xf32, #tpu.memory_space<hbm>>
      tpu.enqueue_dma source(%dma_start3A_106 : memref<12512xf32, #tpu.memory_space<hbm>>) target(%arg6 : memref<12512xf32, #tpu.memory_space<vmem>>) target_semaphore(%run_scoped3A : memref<!tpu.dma_semaphore, #tpu.memory_space<semaphore_mem>>)
      %dma_wait3A = tpu.memref_slice %arg2[%add3A_35] : memref<400384xf32, #tpu.memory_space<hbm>> -> memref<12512xf32, #tpu.memory_space<hbm>>
      %dma_wait3A_107 = tpu.memref_slice %arg2[%add3A_35] : memref<400384xf32, #tpu.memory_space<hbm>> -> memref<12512xf32, #tpu.memory_space<hbm>>
      tpu.wait_dma2 semaphore(%run_scoped3A : memref<!tpu.dma_semaphore, #tpu.memory_space<semaphore_mem>>) src(%dma_wait3A_107 : memref<12512xf32, #tpu.memory_space<hbm>>) dst(%arg6 : memref<12512xf32, #tpu.memory_space<vmem>>)
      tpu.yield
    }) : () -> ()
    %mul3A_36 = arith.constant 16 : i32
    %mul3A_37 = arith.muli %select_n3A, %mul3A_36 : i32
    "tpu.region"() ({
      %run_scoped3A = tpu.sem_alloc : memref<!tpu.dma_semaphore, #tpu.memory_space<semaphore_mem>>
      %dma_start3A = tpu.memref_slice %arg3[%mul3A_37] : memref<128xi32, #tpu.memory_space<hbm>> -> memref<16xi32, #tpu.memory_space<hbm>>
      %dma_start3A_106 = tpu.memref_slice %arg3[%mul3A_37] : memref<128xi32, #tpu.memory_space<hbm>> -> memref<16xi32, #tpu.memory_space<hbm>>
      tpu.enqueue_dma source(%dma_start3A_106 : memref<16xi32, #tpu.memory_space<hbm>>) target(%arg9 : memref<16xi32, #tpu.memory_space<vmem>>) target_semaphore(%run_scoped3A : memref<!tpu.dma_semaphore, #tpu.memory_space<semaphore_mem>>)
      %dma_wait3A = tpu.memref_slice %arg3[%mul3A_37] : memref<128xi32, #tpu.memory_space<hbm>> -> memref<16xi32, #tpu.memory_space<hbm>>
      %dma_wait3A_107 = tpu.memref_slice %arg3[%mul3A_37] : memref<128xi32, #tpu.memory_space<hbm>> -> memref<16xi32, #tpu.memory_space<hbm>>
      tpu.wait_dma2 semaphore(%run_scoped3A : memref<!tpu.dma_semaphore, #tpu.memory_space<semaphore_mem>>) src(%dma_wait3A_107 : memref<16xi32, #tpu.memory_space<hbm>>) dst(%arg9 : memref<16xi32, #tpu.memory_space<vmem>>)
      tpu.yield
    }) : () -> ()
    %get3A = arith.constant 0 : index
    %get3A_38 = tpu.vector_load %arg9[%get3A] {strides = array<i32>} : memref<16xi32, #tpu.memory_space<vmem>>, vector<16xi32>,
    %broadcast_in_dim3A = arith.constant -1.000000e+30 : f32
    %broadcast_in_dim3A_39 = vector.broadcast %broadcast_in_dim3A : f32 to vector<16xf32>
    %broadcast_in_dim3A_40 = arith.constant 0 : i32
    %broadcast_in_dim3A_41 = vector.broadcast %broadcast_in_dim3A_40 : i32 to vector<16xi32>
    %swap3A = arith.constant 0 : index
    %swap3A_42 = tpu.vector_load %arg7[%swap3A] {strides = array<i32>} : memref<208xf32, #tpu.memory_space<vmem>>, vector<16xf32>,
    tpu.vector_store %arg7[%swap3A], %broadcast_in_dim3A_39 {strides = array<i32>} : memref<208xf32, #tpu.memory_space<vmem>>, vector<16xf32>,
    %swap3A_43 = arith.constant 0 : index
    %swap3A_44 = tpu.vector_load %arg8[%swap3A_43] {strides = array<i32>} : memref<208xi32, #tpu.memory_space<vmem>>, vector<16xi32>,
    tpu.vector_store %arg8[%swap3A_43], %broadcast_in_dim3A_41 {strides = array<i32>} : memref<208xi32, #tpu.memory_space<vmem>>, vector<16xi32>,
    %swap3A_45 = arith.constant 16 : index
    %swap3A_46 = tpu.vector_load %arg7[%swap3A_45] {strides = array<i32>} : memref<208xf32, #tpu.memory_space<vmem>>, vector<16xf32>,
    tpu.vector_store %arg7[%swap3A_45], %broadcast_in_dim3A_39 {strides = array<i32>} : memref<208xf32, #tpu.memory_space<vmem>>, vector<16xf32>,
    %swap3A_47 = arith.constant 16 : index
    %swap3A_48 = tpu.vector_load %arg8[%swap3A_47] {strides = array<i32>} : memref<208xi32, #tpu.memory_space<vmem>>, vector<16xi32>,
    tpu.vector_store %arg8[%swap3A_47], %broadcast_in_dim3A_41 {strides = array<i32>} : memref<208xi32, #tpu.memory_space<vmem>>, vector<16xi32>,
    %swap3A_49 = arith.constant 32 : index
    %swap3A_50 = tpu.vector_load %arg7[%swap3A_49] {strides = array<i32>} : memref<208xf32, #tpu.memory_space<vmem>>, vector<16xf32>,
    tpu.vector_store %arg7[%swap3A_49], %broadcast_in_dim3A_39 {strides = array<i32>} : memref<208xf32, #tpu.memory_space<vmem>>, vector<16xf32>,
    %swap3A_51 = arith.constant 32 : index
    %swap3A_52 = tpu.vector_load %arg8[%swap3A_51] {strides = array<i32>} : memref<208xi32, #tpu.memory_space<vmem>>, vector<16xi32>,
    tpu.vector_store %arg8[%swap3A_51], %broadcast_in_dim3A_41 {strides = array<i32>} : memref<208xi32, #tpu.memory_space<vmem>>, vector<16xi32>,
    %swap3A_53 = arith.constant 48 : index
    %swap3A_54 = tpu.vector_load %arg7[%swap3A_53] {strides = array<i32>} : memref<208xf32, #tpu.memory_space<vmem>>, vector<16xf32>,
    tpu.vector_store %arg7[%swap3A_53], %broadcast_in_dim3A_39 {strides = array<i32>} : memref<208xf32, #tpu.memory_space<vmem>>, vector<16xf32>,
    %swap3A_55 = arith.constant 48 : index
    %swap3A_56 = tpu.vector_load %arg8[%swap3A_55] {strides = array<i32>} : memref<208xi32, #tpu.memory_space<vmem>>, vector<16xi32>,
    tpu.vector_store %arg8[%swap3A_55], %broadcast_in_dim3A_41 {strides = array<i32>} : memref<208xi32, #tpu.memory_space<vmem>>, vector<16xi32>,
    %swap3A_57 = arith.constant 64 : index
    %swap3A_58 = tpu.vector_load %arg7[%swap3A_57] {strides = array<i32>} : memref<208xf32, #tpu.memory_space<vmem>>, vector<16xf32>,
    tpu.vector_store %arg7[%swap3A_57], %broadcast_in_dim3A_39 {strides = array<i32>} : memref<208xf32, #tpu.memory_space<vmem>>, vector<16xf32>,
    %swap3A_59 = arith.constant 64 : index
    %swap3A_60 = tpu.vector_load %arg8[%swap3A_59] {strides = array<i32>} : memref<208xi32, #tpu.memory_space<vmem>>, vector<16xi32>,
    tpu.vector_store %arg8[%swap3A_59], %broadcast_in_dim3A_41 {strides = array<i32>} : memref<208xi32, #tpu.memory_space<vmem>>, vector<16xi32>,
    %swap3A_61 = arith.constant 80 : index
    %swap3A_62 = tpu.vector_load %arg7[%swap3A_61] {strides = array<i32>} : memref<208xf32, #tpu.memory_space<vmem>>, vector<16xf32>,
    tpu.vector_store %arg7[%swap3A_61], %broadcast_in_dim3A_39 {strides = array<i32>} : memref<208xf32, #tpu.memory_space<vmem>>, vector<16xf32>,
    %swap3A_63 = arith.constant 80 : index
    %swap3A_64 = tpu.vector_load %arg8[%swap3A_63] {strides = array<i32>} : memref<208xi32, #tpu.memory_space<vmem>>, vector<16xi32>,
    tpu.vector_store %arg8[%swap3A_63], %broadcast_in_dim3A_41 {strides = array<i32>} : memref<208xi32, #tpu.memory_space<vmem>>, vector<16xi32>,
    %swap3A_65 = arith.constant 96 : index
    %swap3A_66 = tpu.vector_load %arg7[%swap3A_65] {strides = array<i32>} : memref<208xf32, #tpu.memory_space<vmem>>, vector<16xf32>,
    tpu.vector_store %arg7[%swap3A_65], %broadcast_in_dim3A_39 {strides = array<i32>} : memref<208xf32, #tpu.memory_space<vmem>>, vector<16xf32>,
    %swap3A_67 = arith.constant 96 : index
    %swap3A_68 = tpu.vector_load %arg8[%swap3A_67] {strides = array<i32>} : memref<208xi32, #tpu.memory_space<vmem>>, vector<16xi32>,
    tpu.vector_store %arg8[%swap3A_67], %broadcast_in_dim3A_41 {strides = array<i32>} : memref<208xi32, #tpu.memory_space<vmem>>, vector<16xi32>,
    %swap3A_69 = arith.constant 112 : index
    %swap3A_70 = tpu.vector_load %arg7[%swap3A_69] {strides = array<i32>} : memref<208xf32, #tpu.memory_space<vmem>>, vector<16xf32>,
    tpu.vector_store %arg7[%swap3A_69], %broadcast_in_dim3A_39 {strides = array<i32>} : memref<208xf32, #tpu.memory_space<vmem>>, vector<16xf32>,
    %swap3A_71 = arith.constant 112 : index
    %swap3A_72 = tpu.vector_load %arg8[%swap3A_71] {strides = array<i32>} : memref<208xi32, #tpu.memory_space<vmem>>, vector<16xi32>,
    tpu.vector_store %arg8[%swap3A_71], %broadcast_in_dim3A_41 {strides = array<i32>} : memref<208xi32, #tpu.memory_space<vmem>>, vector<16xi32>,
    %swap3A_73 = arith.constant 128 : index
    %swap3A_74 = tpu.vector_load %arg7[%swap3A_73] {strides = array<i32>} : memref<208xf32, #tpu.memory_space<vmem>>, vector<16xf32>,
    tpu.vector_store %arg7[%swap3A_73], %broadcast_in_dim3A_39 {strides = array<i32>} : memref<208xf32, #tpu.memory_space<vmem>>, vector<16xf32>,
    %swap3A_75 = arith.constant 128 : index
    %swap3A_76 = tpu.vector_load %arg8[%swap3A_75] {strides = array<i32>} : memref<208xi32, #tpu.memory_space<vmem>>, vector<16xi32>,
    tpu.vector_store %arg8[%swap3A_75], %broadcast_in_dim3A_41 {strides = array<i32>} : memref<208xi32, #tpu.memory_space<vmem>>, vector<16xi32>,
    %swap3A_77 = arith.constant 144 : index
    %swap3A_78 = tpu.vector_load %arg7[%swap3A_77] {strides = array<i32>} : memref<208xf32, #tpu.memory_space<vmem>>, vector<16xf32>,
    tpu.vector_store %arg7[%swap3A_77], %broadcast_in_dim3A_39 {strides = array<i32>} : memref<208xf32, #tpu.memory_space<vmem>>, vector<16xf32>,
    %swap3A_79 = arith.constant 144 : index
    %swap3A_80 = tpu.vector_load %arg8[%swap3A_79] {strides = array<i32>} : memref<208xi32, #tpu.memory_space<vmem>>, vector<16xi32>,
    tpu.vector_store %arg8[%swap3A_79], %broadcast_in_dim3A_41 {strides = array<i32>} : memref<208xi32, #tpu.memory_space<vmem>>, vector<16xi32>,
    %swap3A_81 = arith.constant 160 : index
    %swap3A_82 = tpu.vector_load %arg7[%swap3A_81] {strides = array<i32>} : memref<208xf32, #tpu.memory_space<vmem>>, vector<16xf32>,
    tpu.vector_store %arg7[%swap3A_81], %broadcast_in_dim3A_39 {strides = array<i32>} : memref<208xf32, #tpu.memory_space<vmem>>, vector<16xf32>,
    %swap3A_83 = arith.constant 160 : index
    %swap3A_84 = tpu.vector_load %arg8[%swap3A_83] {strides = array<i32>} : memref<208xi32, #tpu.memory_space<vmem>>, vector<16xi32>,
    tpu.vector_store %arg8[%swap3A_83], %broadcast_in_dim3A_41 {strides = array<i32>} : memref<208xi32, #tpu.memory_space<vmem>>, vector<16xi32>,
    %swap3A_85 = arith.constant 176 : index
    %swap3A_86 = tpu.vector_load %arg7[%swap3A_85] {strides = array<i32>} : memref<208xf32, #tpu.memory_space<vmem>>, vector<16xf32>,
    tpu.vector_store %arg7[%swap3A_85], %broadcast_in_dim3A_39 {strides = array<i32>} : memref<208xf32, #tpu.memory_space<vmem>>, vector<16xf32>,
    %swap3A_87 = arith.constant 176 : index
    %swap3A_88 = tpu.vector_load %arg8[%swap3A_87] {strides = array<i32>} : memref<208xi32, #tpu.memory_space<vmem>>, vector<16xi32>,
    tpu.vector_store %arg8[%swap3A_87], %broadcast_in_dim3A_41 {strides = array<i32>} : memref<208xi32, #tpu.memory_space<vmem>>, vector<16xi32>,
    %swap3A_89 = arith.constant 192 : index
    %swap3A_90 = tpu.vector_load %arg7[%swap3A_89] {strides = array<i32>} : memref<208xf32, #tpu.memory_space<vmem>>, vector<16xf32>,
    tpu.vector_store %arg7[%swap3A_89], %broadcast_in_dim3A_39 {strides = array<i32>} : memref<208xf32, #tpu.memory_space<vmem>>, vector<16xf32>,
    %swap3A_91 = arith.constant 192 : index
    %swap3A_92 = tpu.vector_load %arg8[%swap3A_91] {strides = array<i32>} : memref<208xi32, #tpu.memory_space<vmem>>, vector<16xi32>,
    tpu.vector_store %arg8[%swap3A_91], %broadcast_in_dim3A_41 {strides = array<i32>} : memref<208xi32, #tpu.memory_space<vmem>>, vector<16xi32>,
    %iota3A = tpu.iota {dimensions = array<i32: 0>} : vector<16xi32>
    %mul3A_93 = arith.constant 12512 : i32
    %mul3A_94 = arith.muli %select_n3A_30, %mul3A_93 : i32
    %scan3A = arith.constant 0 : i32
    %scan3A_95 = arith.constant 0 : i32
    %scan3A_96 = arith.constant 782 : i32
    %scan3A_97 = arith.addi %scan3A_95, %scan3A_96 : i32
    %scan3A_98 = arith.constant 1 : i32
    %scan3A_99 = scf.for %scan3A_106 = %scan3A_95 to %scan3A_97 step %scan3A_98 iter_args(%scan3A_107 = %scan3A) -> (i32)  : i32 {
      %mul3A_108 = arith.constant 16 : i32
      %mul3A_109 = arith.muli %scan3A_106, %mul3A_108 : i32
      %get3A_110 = arith.index_cast %mul3A_109 : i32 to index
      %get3A_111 = tpu.vector_load %arg6[%get3A_110] {strides = array<i32>} : memref<12512xf32, #tpu.memory_space<vmem>>, vector<16xf32>,
      %bitcast_convert_type3A = tpu.bitcast %get3A_111 : vector<16xf32> -> vector<16xi32>
      %lt3A_112 = arith.constant 0 : i32
      %lt3A_113 = vector.broadcast %lt3A_112 : i32 to vector<16xi32>
      %lt3A_114 = arith.cmpi slt, %bitcast_convert_type3A, %lt3A_113 : vector<16xi32>
      %xor3A = arith.constant 2147483647 : i32
      %xor3A_115 = vector.broadcast %xor3A : i32 to vector<16xi32>
      %xor3A_116 = arith.xori %bitcast_convert_type3A, %xor3A_115 : vector<16xi32>
      %select_n3A_117 = arith.select %lt3A_114, %xor3A_116, %bitcast_convert_type3A : vector<16xi1>, vector<16xi32>
      %ge3A = arith.cmpi sge, %select_n3A_117, %get3A_38 : vector<16xi32>
      %all_reduce_population_count3A = tpu.all_reduce %ge3A {dim = 0 : i64, kind = #tpu.reduction_kind<sum>} : vector<16xi1> -> vector<16xi32>
      %slice3A = vector.extract_strided_slice %all_reduce_population_count3A {offsets = [0], sizes = [1], strides = [1]} : vector<16xi32> to vector<1xi32>
      %squeeze3A = vector.extract %slice3A[0] : i32 from vector<1xi32>
      %min3A = arith.constant 192 : i32
      %min3A_118 = arith.minsi %scan3A_107, %min3A : i32
      %swap3A_119 = arith.index_cast %min3A_118 : i32 to index
      %swap3A_120 = tpu.vector_load %arg7[%swap3A_119] masked %ge3A {strides = array<i32>} : memref<208xf32, #tpu.memory_space<vmem>>, vector<16xf32>, vector<16xi1>
      tpu.vector_store %arg7[%swap3A_119], %get3A_111 masked %ge3A {strides = array<i32>} : memref<208xf32, #tpu.memory_space<vmem>>, vector<16xf32>, vector<16xi1>
      %mul3A_121 = arith.constant 16 : i32
      %mul3A_122 = arith.muli %scan3A_106, %mul3A_121 : i32
      %add3A_123 = arith.addi %mul3A_94, %mul3A_122 : i32
      %add3A_124 = vector.broadcast %add3A_123 : i32 to vector<16xi32>
      %add3A_125 = arith.addi %iota3A, %add3A_124 : vector<16xi32>
      %swap3A_126 = arith.index_cast %min3A_118 : i32 to index
      %swap3A_127 = tpu.vector_load %arg8[%swap3A_126] masked %ge3A {strides = array<i32>} : memref<208xi32, #tpu.memory_space<vmem>>, vector<16xi32>, vector<16xi1>
      tpu.vector_store %arg8[%swap3A_126], %add3A_125 masked %ge3A {strides = array<i32>} : memref<208xi32, #tpu.memory_space<vmem>>, vector<16xi32>, vector<16xi1>
      %add3A_128 = arith.addi %scan3A_107, %squeeze3A : i32
      %min3A_129 = arith.constant 192 : i32
      %min3A_130 = arith.minsi %add3A_128, %min3A_129 : i32
      scf.yield %min3A_130 : i32
    }
    %scan3A_100 = arith.constant 782 : i32
    %mul3A_101 = arith.constant 768 : i32
    %mul3A_102 = arith.muli %select_n3A, %mul3A_101 : i32
    %mul3A_103 = arith.constant 192 : i32
    %mul3A_104 = arith.muli %select_n3A_30, %mul3A_103 : i32
    %add3A_105 = arith.addi %mul3A_102, %mul3A_104 : i32
    "tpu.region"() ({
      %run_scoped3A = tpu.sem_alloc : memref<!tpu.dma_semaphore, #tpu.memory_space<semaphore_mem>>
      %dma_start3A = arith.constant 0 : i32
      %dma_start3A_106 = tpu.memref_slice %arg7[%dma_start3A] : memref<208xf32, #tpu.memory_space<vmem>> -> memref<192xf32, #tpu.memory_space<vmem>>
      %dma_start3A_107 = tpu.memref_slice %arg4[%add3A_105] : memref<6144xf32, #tpu.memory_space<hbm>> -> memref<192xf32, #tpu.memory_space<hbm>>
      %dma_start3A_108 = tpu.memref_slice %arg4[%add3A_105] : memref<6144xf32, #tpu.memory_space<hbm>> -> memref<192xf32, #tpu.memory_space<hbm>>
      %dma_start3A_109 = arith.constant 0 : i32
      %dma_start3A_110 = tpu.memref_slice %arg7[%dma_start3A_109] : memref<208xf32, #tpu.memory_space<vmem>> -> memref<192xf32, #tpu.memory_space<vmem>>
      tpu.enqueue_dma source(%dma_start3A_110 : memref<192xf32, #tpu.memory_space<vmem>>) target(%dma_start3A_108 : memref<192xf32, #tpu.memory_space<hbm>>) target_semaphore(%run_scoped3A : memref<!tpu.dma_semaphore, #tpu.memory_space<semaphore_mem>>)
      %dma_wait3A = arith.constant 0 : i32
      %dma_wait3A_111 = tpu.memref_slice %arg7[%dma_wait3A] : memref<208xf32, #tpu.memory_space<vmem>> -> memref<192xf32, #tpu.memory_space<vmem>>
      %dma_wait3A_112 = tpu.memref_slice %arg4[%add3A_105] : memref<6144xf32, #tpu.memory_space<hbm>> -> memref<192xf32, #tpu.memory_space<hbm>>
      %dma_wait3A_113 = tpu.memref_slice %arg4[%add3A_105] : memref<6144xf32, #tpu.memory_space<hbm>> -> memref<192xf32, #tpu.memory_space<hbm>>
      %dma_wait3A_114 = arith.constant 0 : i32
      %dma_wait3A_115 = tpu.memref_slice %arg7[%dma_wait3A_114] : memref<208xf32, #tpu.memory_space<vmem>> -> memref<192xf32, #tpu.memory_space<vmem>>
      tpu.wait_dma2 semaphore(%run_scoped3A : memref<!tpu.dma_semaphore, #tpu.memory_space<semaphore_mem>>) src(%dma_wait3A_115 : memref<192xf32, #tpu.memory_space<vmem>>) dst(%dma_wait3A_113 : memref<192xf32, #tpu.memory_space<hbm>>)
      tpu.yield
    }) : () -> ()
    "tpu.region"() ({
      %run_scoped3A = tpu.sem_alloc : memref<!tpu.dma_semaphore, #tpu.memory_space<semaphore_mem>>
      %dma_start3A = arith.constant 0 : i32
      %dma_start3A_106 = tpu.memref_slice %arg8[%dma_start3A] : memref<208xi32, #tpu.memory_space<vmem>> -> memref<192xi32, #tpu.memory_space<vmem>>
      %dma_start3A_107 = tpu.memref_slice %arg5[%add3A_105] : memref<6144xi32, #tpu.memory_space<hbm>> -> memref<192xi32, #tpu.memory_space<hbm>>
      %dma_start3A_108 = tpu.memref_slice %arg5[%add3A_105] : memref<6144xi32, #tpu.memory_space<hbm>> -> memref<192xi32, #tpu.memory_space<hbm>>
      %dma_start3A_109 = arith.constant 0 : i32
      %dma_start3A_110 = tpu.memref_slice %arg8[%dma_start3A_109] : memref<208xi32, #tpu.memory_space<vmem>> -> memref<192xi32, #tpu.memory_space<vmem>>
      tpu.enqueue_dma source(%dma_start3A_110 : memref<192xi32, #tpu.memory_space<vmem>>) target(%dma_start3A_108 : memref<192xi32, #tpu.memory_space<hbm>>) target_semaphore(%run_scoped3A : memref<!tpu.dma_semaphore, #tpu.memory_space<semaphore_mem>>)
      %dma_wait3A = arith.constant 0 : i32
      %dma_wait3A_111 = tpu.memref_slice %arg8[%dma_wait3A] : memref<208xi32, #tpu.memory_space<vmem>> -> memref<192xi32, #tpu.memory_space<vmem>>
      %dma_wait3A_112 = tpu.memref_slice %arg5[%add3A_105] : memref<6144xi32, #tpu.memory_space<hbm>> -> memref<192xi32, #tpu.memory_space<hbm>>
      %dma_wait3A_113 = tpu.memref_slice %arg5[%add3A_105] : memref<6144xi32, #tpu.memory_space<hbm>> -> memref<192xi32, #tpu.memory_space<hbm>>
      %dma_wait3A_114 = arith.constant 0 : i32
      %dma_wait3A_115 = tpu.memref_slice %arg8[%dma_wait3A_114] : memref<208xi32, #tpu.memory_space<vmem>> -> memref<192xi32, #tpu.memory_space<vmem>>
      tpu.wait_dma2 semaphore(%run_scoped3A : memref<!tpu.dma_semaphore, #tpu.memory_space<semaphore_mem>>) src(%dma_wait3A_115 : memref<192xi32, #tpu.memory_space<vmem>>) dst(%dma_wait3A_113 : memref<192xi32, #tpu.memory_space<hbm>>)
      tpu.yield
    }) : () -> ()
    return
  }
}

module attributes {stable_mosaic.version = 14 : i64} {
  func.func @_thresh_body(%arg0: memref<8x50000xf32, #tpu.memory_space<vmem>>, %arg1: memref<8x16xi32, #tpu.memory_space<vmem>>, %arg2: memref<8x128xi32, #tpu.memory_space<vmem>>, %arg3: memref<8x128xi32, #tpu.memory_space<vmem>>, %arg4: memref<8x128xi32, #tpu.memory_space<vmem>>, %arg5: memref<8x128xi32, #tpu.memory_space<vmem>>) attributes {dimension_semantics = [], scalar_prefetch = 0 : i64, scratch_operands = 4 : i64, tpu.core_type = #tpu.core_type<tc>} {
    %get3A = arith.constant 0 : index
    %get3A_0 = arith.constant 0 : index
    %get3A_1 = vector.load %arg0[%get3A, %get3A_0] : memref<8x50000xf32, #tpu.memory_space<vmem>>, vector<8x50000xf32>
    %bitcast_convert_type3A = tpu.bitcast %get3A_1 : vector<8x50000xf32> -> vector<8x50000xi32>
    %lt3A = arith.constant 0 : i32
    %lt3A_2 = vector.broadcast %lt3A : i32 to vector<8x50000xi32>
    %lt3A_3 = arith.cmpi slt, %bitcast_convert_type3A, %lt3A_2 : vector<8x50000xi32>
    %xor3A = arith.constant 2147483647 : i32
    %xor3A_4 = vector.broadcast %xor3A : i32 to vector<8x50000xi32>
    %xor3A_5 = arith.xori %bitcast_convert_type3A, %xor3A_4 : vector<8x50000xi32>
    %select_n3A = arith.select %lt3A_3, %xor3A_5, %bitcast_convert_type3A : vector<8x50000xi1>, vector<8x50000xi32>
    %reduce_min3A = arith.constant dense<2147483647> : vector<8xi32>
    %reduce_min3A_6 = vector.multi_reduction <minsi>, %select_n3A, %reduce_min3A [1] : vector<8x50000xi32> to vector<8xi32>
    %broadcast_in_dim3A = vector.shape_cast %reduce_min3A_6 : vector<8xi32> to vector<8x1xi32>
    %reduce_max3A = arith.constant dense<-2147483648> : vector<8xi32>
    %reduce_max3A_7 = vector.multi_reduction <maxsi>, %select_n3A, %reduce_max3A [1] : vector<8x50000xi32> to vector<8xi32>
    %broadcast_in_dim3A_8 = vector.shape_cast %reduce_max3A_7 : vector<8xi32> to vector<8x1xi32>
    %add3A = arith.constant 1 : i32
    %add3A_9 = vector.broadcast %add3A : i32 to vector<8x1xi32>
    %add3A_10 = arith.addi %broadcast_in_dim3A_8, %add3A_9 : vector<8x1xi32>
    %broadcast_in_dim3A_11 = vector.shape_cast %broadcast_in_dim3A : vector<8x1xi32> to vector<8x1xi32>
    %broadcast_in_dim3A_12 = vector.broadcast %broadcast_in_dim3A_11 : vector<8x1xi32> to vector<8x128xi32>
    %swap3A = arith.constant 0 : index
    %swap3A_13 = arith.constant 0 : index
    %swap3A_14 = vector.load %arg2[%swap3A, %swap3A_13] : memref<8x128xi32, #tpu.memory_space<vmem>>, vector<8x128xi32>
    tpu.vector_store %arg2[%swap3A, %swap3A_13], %broadcast_in_dim3A_12 {strides = array<i32>} : memref<8x128xi32, #tpu.memory_space<vmem>>, vector<8x128xi32>,
    %broadcast_in_dim3A_15 = vector.shape_cast %add3A_10 : vector<8x1xi32> to vector<8x1xi32>
    %broadcast_in_dim3A_16 = vector.broadcast %broadcast_in_dim3A_15 : vector<8x1xi32> to vector<8x128xi32>
    %swap3A_17 = arith.constant 0 : index
    %swap3A_18 = arith.constant 0 : index
    %swap3A_19 = vector.load %arg3[%swap3A_17, %swap3A_18] : memref<8x128xi32, #tpu.memory_space<vmem>>, vector<8x128xi32>
    tpu.vector_store %arg3[%swap3A_17, %swap3A_18], %broadcast_in_dim3A_16 {strides = array<i32>} : memref<8x128xi32, #tpu.memory_space<vmem>>, vector<8x128xi32>,
    %broadcast_in_dim3A_20 = vector.shape_cast %broadcast_in_dim3A : vector<8x1xi32> to vector<8x1xi32>
    %broadcast_in_dim3A_21 = vector.broadcast %broadcast_in_dim3A_20 : vector<8x1xi32> to vector<8x128xi32>
    %swap3A_22 = arith.constant 0 : index
    %swap3A_23 = arith.constant 0 : index
    %swap3A_24 = vector.load %arg4[%swap3A_22, %swap3A_23] : memref<8x128xi32, #tpu.memory_space<vmem>>, vector<8x128xi32>
    tpu.vector_store %arg4[%swap3A_22, %swap3A_23], %broadcast_in_dim3A_21 {strides = array<i32>} : memref<8x128xi32, #tpu.memory_space<vmem>>, vector<8x128xi32>,
    %broadcast_in_dim3A_25 = arith.constant 0 : i32
    %broadcast_in_dim3A_26 = vector.broadcast %broadcast_in_dim3A_25 : i32 to vector<8x128xi32>
    %swap3A_27 = arith.constant 0 : index
    %swap3A_28 = arith.constant 0 : index
    %swap3A_29 = vector.load %arg5[%swap3A_27, %swap3A_28] : memref<8x128xi32, #tpu.memory_space<vmem>>, vector<8x128xi32>
    tpu.vector_store %arg5[%swap3A_27, %swap3A_28], %broadcast_in_dim3A_26 {strides = array<i32>} : memref<8x128xi32, #tpu.memory_space<vmem>>, vector<8x128xi32>,
    %while3A = arith.constant 0 : i32
    %while3A_30 = arith.constant false
    %while3A_31:2 = scf.while (%while3A_47 = %while3A, %while3A_48 = %while3A_30) : (i32, i1) -> (i32, i1) {
      %lt3A_49 = arith.constant 32 : i32
      %lt3A_50 = arith.cmpi slt, %while3A_47, %lt3A_49 : i32
      %not3A = arith.constant true
      %not3A_51 = arith.xori %while3A_48, %not3A : i1
      %and3A = arith.andi %lt3A_50, %not3A_51 : i1
      scf.condition(%and3A) %while3A_47, %while3A_48 : i32, i1
    } do {
    ^bb0(%while3A_47: i32, %while3A_48: i1):
      %get3A_49 = arith.constant 0 : index
      %get3A_50 = arith.constant 0 : index
      %get3A_51 = vector.load %arg2[%get3A_49, %get3A_50] : memref<8x128xi32, #tpu.memory_space<vmem>>, vector<8x128xi32>
      %get3A_52 = arith.constant 0 : index
      %get3A_53 = arith.constant 0 : index
      %get3A_54 = vector.load %arg3[%get3A_52, %get3A_53] : memref<8x128xi32, #tpu.memory_space<vmem>>, vector<8x128xi32>
      %shift_right_arithmetic3A = arith.constant 1 : i32
      %shift_right_arithmetic3A_55 = vector.broadcast %shift_right_arithmetic3A : i32 to vector<8x128xi32>
      %shift_right_arithmetic3A_56 = arith.shrsi %get3A_51, %shift_right_arithmetic3A_55 : vector<8x128xi32>
      %shift_right_arithmetic3A_57 = arith.constant 1 : i32
      %shift_right_arithmetic3A_58 = vector.broadcast %shift_right_arithmetic3A_57 : i32 to vector<8x128xi32>
      %shift_right_arithmetic3A_59 = arith.shrsi %get3A_54, %shift_right_arithmetic3A_58 : vector<8x128xi32>
      %add3A_60 = arith.addi %shift_right_arithmetic3A_56, %shift_right_arithmetic3A_59 : vector<8x128xi32>
      %and3A = arith.andi %get3A_51, %get3A_54 : vector<8x128xi32>
      %and3A_61 = arith.constant 1 : i32
      %and3A_62 = vector.broadcast %and3A_61 : i32 to vector<8x128xi32>
      %and3A_63 = arith.andi %and3A, %and3A_62 : vector<8x128xi32>
      %add3A_64 = arith.addi %add3A_60, %and3A_63 : vector<8x128xi32>
      %slice3A_65 = vector.extract_strided_slice %add3A_64 {offsets = [0, 0], sizes = [8, 1], strides = [1, 1]} : vector<8x128xi32> to vector<8x1xi32>
      %ge3A = vector.broadcast %slice3A_65 : vector<8x1xi32> to vector<8x50000xi32>
      %ge3A_66 = arith.cmpi sge, %select_n3A, %ge3A : vector<8x50000xi32>
      %convert_element_type3A = arith.extui %ge3A_66 : vector<8x50000xi1> to vector<8x50000xi32>
      %reduce_sum3A = arith.constant dense<0> : vector<8xi32>
      %reduce_sum3A_67 = vector.multi_reduction <add>, %convert_element_type3A, %reduce_sum3A [1] : vector<8x50000xi32> to vector<8xi32>
      %broadcast_in_dim3A_68 = vector.shape_cast %reduce_sum3A_67 : vector<8xi32> to vector<8x1xi32>
      %broadcast_in_dim3A_69 = vector.shape_cast %broadcast_in_dim3A_68 : vector<8x1xi32> to vector<8x1xi32>
      %broadcast_in_dim3A_70 = vector.broadcast %broadcast_in_dim3A_69 : vector<8x1xi32> to vector<8x128xi32>
      %get3A_71 = arith.constant 0 : index
      %get3A_72 = arith.constant 0 : index
      %get3A_73 = vector.load %arg5[%get3A_71, %get3A_72] : memref<8x128xi32, #tpu.memory_space<vmem>>, vector<8x128xi32>
      %ge3A_74 = arith.constant 384 : i32
      %ge3A_75 = vector.broadcast %ge3A_74 : i32 to vector<8x128xi32>
      %ge3A_76 = arith.cmpi sge, %broadcast_in_dim3A_70, %ge3A_75 : vector<8x128xi32>
      %le3A = arith.constant 560 : i32
      %le3A_77 = vector.broadcast %le3A : i32 to vector<8x128xi32>
      %le3A_78 = arith.cmpi sle, %broadcast_in_dim3A_70, %le3A_77 : vector<8x128xi32>
      %and3A_79 = arith.andi %ge3A_76, %le3A_78 : vector<8x128xi1>
      %convert_element_type3A_80 = arith.extui %and3A_79 : vector<8x128xi1> to vector<8x128xi32>
      %gt3A_81 = arith.constant 0 : i32
      %gt3A_82 = vector.broadcast %gt3A_81 : i32 to vector<8x128xi32>
      %gt3A_83 = arith.cmpi sgt, %convert_element_type3A_80, %gt3A_82 : vector<8x128xi32>
      %eq3A = arith.constant 0 : i32
      %eq3A_84 = vector.broadcast %eq3A : i32 to vector<8x128xi32>
      %eq3A_85 = arith.cmpi eq, %get3A_73, %eq3A_84 : vector<8x128xi32>
      %and3A_86 = arith.andi %gt3A_83, %eq3A_85 : vector<8x128xi1>
      %get3A_87 = arith.constant 0 : index
      %get3A_88 = arith.constant 0 : index
      %get3A_89 = vector.load %arg4[%get3A_87, %get3A_88] : memref<8x128xi32, #tpu.memory_space<vmem>>, vector<8x128xi32>
      %select_n3A_90 = arith.select %and3A_86, %add3A_64, %get3A_89 : vector<8x128xi1>, vector<8x128xi32>
      %swap3A_91 = arith.constant 0 : index
      %swap3A_92 = arith.constant 0 : index
      %swap3A_93 = vector.load %arg4[%swap3A_91, %swap3A_92] : memref<8x128xi32, #tpu.memory_space<vmem>>, vector<8x128xi32>
      tpu.vector_store %arg4[%swap3A_91, %swap3A_92], %select_n3A_90 {strides = array<i32>} : memref<8x128xi32, #tpu.memory_space<vmem>>, vector<8x128xi32>,
      %or3A = arith.ori %get3A_73, %convert_element_type3A_80 : vector<8x128xi32>
      %swap3A_94 = arith.constant 0 : index
      %swap3A_95 = arith.constant 0 : index
      %swap3A_96 = vector.load %arg5[%swap3A_94, %swap3A_95] : memref<8x128xi32, #tpu.memory_space<vmem>>, vector<8x128xi32>
      tpu.vector_store %arg5[%swap3A_94, %swap3A_95], %or3A {strides = array<i32>} : memref<8x128xi32, #tpu.memory_space<vmem>>, vector<8x128xi32>,
      %ge3A_97 = arith.constant 512 : i32
      %ge3A_98 = vector.broadcast %ge3A_97 : i32 to vector<8x128xi32>
      %ge3A_99 = arith.cmpi sge, %broadcast_in_dim3A_70, %ge3A_98 : vector<8x128xi32>
      %select_n3A_100 = arith.select %ge3A_99, %add3A_64, %get3A_51 : vector<8x128xi1>, vector<8x128xi32>
      %swap3A_101 = arith.constant 0 : index
      %swap3A_102 = arith.constant 0 : index
      %swap3A_103 = vector.load %arg2[%swap3A_101, %swap3A_102] : memref<8x128xi32, #tpu.memory_space<vmem>>, vector<8x128xi32>
      tpu.vector_store %arg2[%swap3A_101, %swap3A_102], %select_n3A_100 {strides = array<i32>} : memref<8x128xi32, #tpu.memory_space<vmem>>, vector<8x128xi32>,
      %select_n3A_104 = arith.select %ge3A_99, %get3A_54, %add3A_64 : vector<8x128xi1>, vector<8x128xi32>
      %swap3A_105 = arith.constant 0 : index
      %swap3A_106 = arith.constant 0 : index
      %swap3A_107 = vector.load %arg3[%swap3A_105, %swap3A_106] : memref<8x128xi32, #tpu.memory_space<vmem>>, vector<8x128xi32>
      tpu.vector_store %arg3[%swap3A_105, %swap3A_106], %select_n3A_104 {strides = array<i32>} : memref<8x128xi32, #tpu.memory_space<vmem>>, vector<8x128xi32>,
      %add3A_108 = arith.constant 1 : i32
      %add3A_109 = arith.addi %while3A_47, %add3A_108 : i32
      %gt3A_110 = arith.constant 0 : i32
      %gt3A_111 = vector.broadcast %gt3A_110 : i32 to vector<8x128xi32>
      %gt3A_112 = arith.cmpi sgt, %or3A, %gt3A_111 : vector<8x128xi32>
      %reduce_and3A = arith.constant 1.000000e+00 : f32
      %reduce_and3A_113 = arith.constant 0.000000e+00 : f32
      %reduce_and3A_114 = vector.broadcast %reduce_and3A : f32 to vector<8x128xf32>
      %reduce_and3A_115 = vector.broadcast %reduce_and3A_113 : f32 to vector<8x128xf32>
      %reduce_and3A_116 = arith.select %gt3A_112, %reduce_and3A_114, %reduce_and3A_115 : vector<8x128xi1>, vector<8x128xf32>
      %reduce_and3A_117 = vector.shape_cast %reduce_and3A_116 : vector<8x128xf32> to vector<1x8x128xf32>
      %reduce_and3A_118 = arith.constant dense<0x7F800000> : vector<1xf32>
      %reduce_and3A_119 = vector.multi_reduction <minimumf>, %reduce_and3A_117, %reduce_and3A_118 [1, 2] : vector<1x8x128xf32> to vector<1xf32>
      %reduce_and3A_120 = vector.shape_cast %reduce_and3A_119 : vector<1xf32> to vector<1x1x1xf32>
      %reduce_and3A_121 = vector.extract %reduce_and3A_120[0, 0, 0] : f32 from vector<1x1x1xf32>
      %reduce_and3A_122 = arith.constant 0.000000e+00 : f32
      %reduce_and3A_123 = arith.cmpf ogt, %reduce_and3A_121, %reduce_and3A_122 : f32
      scf.yield %add3A_109, %reduce_and3A_123 : i32, i1
    }
    %get3A_32 = arith.constant 0 : index
    %get3A_33 = arith.constant 0 : index
    %get3A_34 = vector.load %arg5[%get3A_32, %get3A_33] : memref<8x128xi32, #tpu.memory_space<vmem>>, vector<8x128xi32>
    %gt3A = arith.constant 0 : i32
    %gt3A_35 = vector.broadcast %gt3A : i32 to vector<8x128xi32>
    %gt3A_36 = arith.cmpi sgt, %get3A_34, %gt3A_35 : vector<8x128xi32>
    %get3A_37 = arith.constant 0 : index
    %get3A_38 = arith.constant 0 : index
    %get3A_39 = vector.load %arg4[%get3A_37, %get3A_38] : memref<8x128xi32, #tpu.memory_space<vmem>>, vector<8x128xi32>
    %get3A_40 = arith.constant 0 : index
    %get3A_41 = arith.constant 0 : index
    %get3A_42 = vector.load %arg2[%get3A_40, %get3A_41] : memref<8x128xi32, #tpu.memory_space<vmem>>, vector<8x128xi32>
    %select_n3A_43 = arith.select %gt3A_36, %get3A_39, %get3A_42 : vector<8x128xi1>, vector<8x128xi32>
    %slice3A = vector.extract_strided_slice %select_n3A_43 {offsets = [0, 0], sizes = [8, 16], strides = [1, 1]} : vector<8x128xi32> to vector<8x16xi32>
    %swap3A_44 = arith.constant 0 : index
    %swap3A_45 = arith.constant 0 : index
    %swap3A_46 = vector.load %arg1[%swap3A_44, %swap3A_45] : memref<8x16xi32, #tpu.memory_space<vmem>>, vector<8x16xi32>
    tpu.vector_store %arg1[%swap3A_44, %swap3A_45], %slice3A {strides = array<i32>} : memref<8x16xi32, #tpu.memory_space<vmem>>, vector<8x16xi32>,
    return
  }
}

module attributes {stable_mosaic.version = 14 : i64} {
  func.func @_rank_body(%arg0: i32, %arg1: memref<1x1x768xf32, #tpu.memory_space<vmem>>, %arg2: memref<1x1x768xi32, #tpu.memory_space<vmem>>, %arg3: memref<1x5000x10xf32, #tpu.memory_space<vmem>>, %arg4: memref<1x300x10xf32, #tpu.memory_space<vmem>>, %arg5: memref<1x1x300xf32, #tpu.memory_space<vmem>>, %arg6: memref<1x1x300xi32, #tpu.memory_space<vmem>>) attributes {dimension_semantics = [#tpu.dimension_semantics<arbitrary>], iteration_bounds = array<i64: 8>, scalar_prefetch = 0 : i64, scratch_operands = 0 : i64, tpu.core_type = #tpu.core_type<tc>, window_params = [{transform_indices = @transform_0, window_bounds = array<i64: 1, 1, 768>}, {transform_indices = @transform_1, window_bounds = array<i64: 1, 1, 768>}, {transform_indices = @transform_2, window_bounds = array<i64: 1, 5000, 10>}, {transform_indices = @transform_3, window_bounds = array<i64: 1, 300, 10>}, {transform_indices = @transform_4, window_bounds = array<i64: 1, 1, 300>}, {transform_indices = @transform_5, window_bounds = array<i64: 1, 1, 300>}]} {
    %get3A = arith.constant 0 : index
    %get3A_0 = arith.constant 0 : index
    %get3A_1 = arith.constant 0 : index
    %get3A_2 = vector.load %arg1[%get3A, %get3A_0, %get3A_1] : memref<1x1x768xf32, #tpu.memory_space<vmem>>, vector<1x1x768xf32>
    %get3A_3 = vector.shape_cast %get3A_2 : vector<1x1x768xf32> to vector<768xf32>
    %get3A_4 = arith.constant 0 : index
    %get3A_5 = arith.constant 0 : index
    %get3A_6 = arith.constant 0 : index
    %get3A_7 = vector.load %arg2[%get3A_4, %get3A_5, %get3A_6] : memref<1x1x768xi32, #tpu.memory_space<vmem>>, vector<1x1x768xi32>
    %get3A_8 = vector.shape_cast %get3A_7 : vector<1x1x768xi32> to vector<768xi32>
    %broadcast_in_dim3A = vector.shape_cast %get3A_3 : vector<768xf32> to vector<768x1xf32>
    %broadcast_in_dim3A_9 = vector.shape_cast %get3A_3 : vector<768xf32> to vector<1x768xf32>
    %gt3A = vector.broadcast %broadcast_in_dim3A : vector<768x1xf32> to vector<768x768xf32>
    %gt3A_10 = vector.broadcast %broadcast_in_dim3A_9 : vector<1x768xf32> to vector<768x768xf32>
    %gt3A_11 = arith.cmpf ogt, %gt3A, %gt3A_10 : vector<768x768xf32>
    %eq3A = vector.broadcast %broadcast_in_dim3A : vector<768x1xf32> to vector<768x768xf32>
    %eq3A_12 = vector.broadcast %broadcast_in_dim3A_9 : vector<1x768xf32> to vector<768x768xf32>
    %eq3A_13 = arith.cmpf oeq, %eq3A, %eq3A_12 : vector<768x768xf32>
    %broadcast_in_dim3A_14 = vector.shape_cast %get3A_8 : vector<768xi32> to vector<768x1xi32>
    %broadcast_in_dim3A_15 = vector.shape_cast %get3A_8 : vector<768xi32> to vector<1x768xi32>
    %lt3A = vector.broadcast %broadcast_in_dim3A_14 : vector<768x1xi32> to vector<768x768xi32>
    %lt3A_16 = vector.broadcast %broadcast_in_dim3A_15 : vector<1x768xi32> to vector<768x768xi32>
    %lt3A_17 = arith.cmpi slt, %lt3A, %lt3A_16 : vector<768x768xi32>
    %and3A = arith.andi %eq3A_13, %lt3A_17 : vector<768x768xi1>
    %or3A = arith.ori %gt3A_11, %and3A : vector<768x768xi1>
    %convert_element_type3A = arith.extui %or3A : vector<768x768xi1> to vector<768x768xi32>
    %reduce_sum3A = arith.constant dense<0> : vector<768xi32>
    %reduce_sum3A_18 = vector.multi_reduction <add>, %convert_element_type3A, %reduce_sum3A [0] : vector<768x768xi32> to vector<768xi32>
    %iota3A = tpu.iota {dimensions = array<i32: 0>} : vector<300x768xi32>
    %broadcast_in_dim3A_19 = vector.shape_cast %reduce_sum3A_18 : vector<768xi32> to vector<1x768xi32>
    %eq3A_20 = vector.broadcast %broadcast_in_dim3A_19 : vector<1x768xi32> to vector<300x768xi32>
    %eq3A_21 = arith.cmpi eq, %iota3A, %eq3A_20 : vector<300x768xi32>
    %convert_element_type3A_22 = arith.extui %eq3A_21 : vector<300x768xi1> to vector<300x768xi32>
    %convert_element_type3A_23 = arith.sitofp %convert_element_type3A_22 : vector<300x768xi32> to vector<300x768xf32>
    %broadcast_in_dim3A_24 = vector.shape_cast %get3A_3 : vector<768xf32> to vector<1x768xf32>
    %mul3A = vector.broadcast %broadcast_in_dim3A_24 : vector<1x768xf32> to vector<300x768xf32>
    %mul3A_25 = arith.mulf %convert_element_type3A_23, %mul3A : vector<300x768xf32>
    %reduce_sum3A_26 = arith.constant dense<0.000000e+00> : vector<300xf32>
    %reduce_sum3A_27 = vector.multi_reduction <add>, %mul3A_25, %reduce_sum3A_26 [1] : vector<300x768xf32> to vector<300xf32>
    %convert_element_type3A_28 = arith.sitofp %get3A_8 : vector<768xi32> to vector<768xf32>
    %broadcast_in_dim3A_29 = vector.shape_cast %convert_element_type3A_28 : vector<768xf32> to vector<1x768xf32>
    %mul3A_30 = vector.broadcast %broadcast_in_dim3A_29 : vector<1x768xf32> to vector<300x768xf32>
    %mul3A_31 = arith.mulf %convert_element_type3A_23, %mul3A_30 : vector<300x768xf32>
    %reduce_sum3A_32 = arith.constant dense<0.000000e+00> : vector<300xf32>
    %reduce_sum3A_33 = vector.multi_reduction <add>, %mul3A_31, %reduce_sum3A_32 [1] : vector<300x768xf32> to vector<300xf32>
    %convert_element_type3A_34 = arith.fptosi %reduce_sum3A_33 : vector<300xf32> to vector<300xi32>
    %jit3A = arith.constant 10 : i32
    %eq3A_35 = arith.constant 0 : i32
    %eq3A_36 = arith.cmpi eq, %jit3A, %eq3A_35 : i32
    %jit3A_37 = arith.constant 1 : i32
    %select_n3A = arith.select %eq3A_36, %jit3A_37, %jit3A : i32
    %rem3A = vector.broadcast %select_n3A : i32 to vector<300xi32>
    %rem3A_38 = arith.remsi %convert_element_type3A_34, %rem3A : vector<300xi32>
    %ne3A = arith.constant 0 : i32
    %ne3A_39 = vector.broadcast %ne3A : i32 to vector<300xi32>
    %ne3A_40 = arith.cmpi ne, %rem3A_38, %ne3A_39 : vector<300xi32>
    %lt3A_41 = arith.constant 0 : i32
    %lt3A_42 = vector.broadcast %lt3A_41 : i32 to vector<300xi32>
    %lt3A_43 = arith.cmpi slt, %rem3A_38, %lt3A_42 : vector<300xi32>
    %lt3A_44 = arith.constant 0 : i32
    %lt3A_45 = arith.cmpi slt, %select_n3A, %lt3A_44 : i32
    %ne3A_46 = vector.broadcast %lt3A_45 : i1 to vector<300xi1>
    %ne3A_47 = vector.broadcast %ne3A_46 : vector<300xi1> to vector<300xi1>
    %ne3A_48 = arith.xori %lt3A_43, %ne3A_47 : vector<300xi1>
    %and3A_49 = arith.andi %ne3A_48, %ne3A_40 : vector<300xi1>
    %add3A = vector.broadcast %select_n3A : i32 to vector<300xi32>
    %add3A_50 = arith.addi %rem3A_38, %add3A : vector<300xi32>
    %select_n3A_51 = arith.select %and3A_49, %add3A_50, %rem3A_38 : vector<300xi1>, vector<300xi32>
    %jit3A_52 = arith.constant 10 : i32
    %div3A = vector.broadcast %jit3A_52 : i32 to vector<300xi32>
    %div3A_53 = arith.divsi %convert_element_type3A_34, %div3A : vector<300xi32>
    %sign3A = arith.constant 0 : i32
    %sign3A_54 = vector.broadcast %sign3A : i32 to vector<300xi32>
    %sign3A_55 = arith.cmpi sgt, %convert_element_type3A_34, %sign3A_54 : vector<300xi32>
    %sign3A_56 = arith.extui %sign3A_55 : vector<300xi1> to vector<300xi32>
    %sign3A_57 = arith.constant 0 : i32
    %sign3A_58 = vector.broadcast %sign3A_57 : i32 to vector<300xi32>
    %sign3A_59 = arith.cmpi slt, %convert_element_type3A_34, %sign3A_58 : vector<300xi32>
    %sign3A_60 = arith.extui %sign3A_59 : vector<300xi1> to vector<300xi32>
    %sign3A_61 = arith.subi %sign3A_56, %sign3A_60 : vector<300xi32>
    %sign3A_62 = arith.constant 0 : i32
    %sign3A_63 = arith.cmpi sgt, %jit3A_52, %sign3A_62 : i32
    %sign3A_64 = arith.extui %sign3A_63 : i1 to i32
    %sign3A_65 = arith.constant 0 : i32
    %sign3A_66 = arith.cmpi slt, %jit3A_52, %sign3A_65 : i32
    %sign3A_67 = arith.extui %sign3A_66 : i1 to i32
    %sign3A_68 = arith.subi %sign3A_64, %sign3A_67 : i32
    %ne3A_69 = vector.broadcast %sign3A_68 : i32 to vector<300xi32>
    %ne3A_70 = arith.cmpi ne, %sign3A_61, %ne3A_69 : vector<300xi32>
    %rem3A_71 = vector.broadcast %jit3A_52 : i32 to vector<300xi32>
    %rem3A_72 = arith.remsi %convert_element_type3A_34, %rem3A_71 : vector<300xi32>
    %ne3A_73 = arith.constant 0 : i32
    %ne3A_74 = vector.broadcast %ne3A_73 : i32 to vector<300xi32>
    %ne3A_75 = arith.cmpi ne, %rem3A_72, %ne3A_74 : vector<300xi32>
    %and3A_76 = arith.andi %ne3A_70, %ne3A_75 : vector<300xi1>
    %sub3A = arith.constant 1 : i32
    %sub3A_77 = vector.broadcast %sub3A : i32 to vector<300xi32>
    %sub3A_78 = arith.subi %div3A_53, %sub3A_77 : vector<300xi32>
    %select_n3A_79 = arith.select %and3A_76, %sub3A_78, %div3A_53 : vector<300xi1>, vector<300xi32>
    %broadcast_in_dim3A_80 = vector.shape_cast %select_n3A_79 : vector<300xi32> to vector<300x1xi32>
    %iota3A_81 = tpu.iota {dimensions = array<i32: 1>} : vector<300x5000xi32>
    %eq3A_82 = vector.broadcast %broadcast_in_dim3A_80 : vector<300x1xi32> to vector<300x5000xi32>
    %eq3A_83 = arith.cmpi eq, %eq3A_82, %iota3A_81 : vector<300x5000xi32>
    %convert_element_type3A_84 = arith.extui %eq3A_83 : vector<300x5000xi1> to vector<300x5000xi32>
    %convert_element_type3A_85 = arith.sitofp %convert_element_type3A_84 : vector<300x5000xi32> to vector<300x5000xf32>
    %get3A_86 = arith.constant 0 : index
    %get3A_87 = arith.constant 0 : index
    %get3A_88 = arith.constant 0 : index
    %get3A_89 = vector.load %arg3[%get3A_86, %get3A_87, %get3A_88] : memref<1x5000x10xf32, #tpu.memory_space<vmem>>, vector<1x5000x10xf32>
    %get3A_90 = vector.shape_cast %get3A_89 : vector<1x5000x10xf32> to vector<5000x10xf32>
    %dot_general3A = arith.constant dense<0.000000e+00> : vector<300x10xf32>
    %dot_general3A_91 = tpu.matmul %convert_element_type3A_85, %get3A_90, %dot_general3A {dimension_numbers = #tpu.dot_dimension_numbers<[1], [0], [0], [1], [0, 0, 1, 1], [], []>, transpose_lhs_hint = false} : vector<300x5000xf32>, vector<5000x10xf32>, vector<300x10xf32> -> vector<300x10xf32>
    %slice3A = vector.extract_strided_slice %dot_general3A_91 {offsets = [0, 0], sizes = [300, 1], strides = [1, 1]} : vector<300x10xf32> to vector<300x1xf32>
    %squeeze3A = vector.shape_cast %slice3A : vector<300x1xf32> to vector<300xf32>
    %slice3A_92 = vector.extract_strided_slice %dot_general3A_91 {offsets = [0, 1], sizes = [300, 1], strides = [1, 1]} : vector<300x10xf32> to vector<300x1xf32>
    %squeeze3A_93 = vector.shape_cast %slice3A_92 : vector<300x1xf32> to vector<300xf32>
    %slice3A_94 = vector.extract_strided_slice %dot_general3A_91 {offsets = [0, 2], sizes = [300, 1], strides = [1, 1]} : vector<300x10xf32> to vector<300x1xf32>
    %squeeze3A_95 = vector.shape_cast %slice3A_94 : vector<300x1xf32> to vector<300xf32>
    %slice3A_96 = vector.extract_strided_slice %dot_general3A_91 {offsets = [0, 3], sizes = [300, 1], strides = [1, 1]} : vector<300x10xf32> to vector<300x1xf32>
    %squeeze3A_97 = vector.shape_cast %slice3A_96 : vector<300x1xf32> to vector<300xf32>
    %slice3A_98 = vector.extract_strided_slice %dot_general3A_91 {offsets = [0, 4], sizes = [300, 1], strides = [1, 1]} : vector<300x10xf32> to vector<300x1xf32>
    %squeeze3A_99 = vector.shape_cast %slice3A_98 : vector<300x1xf32> to vector<300xf32>
    %slice3A_100 = vector.extract_strided_slice %dot_general3A_91 {offsets = [0, 5], sizes = [300, 1], strides = [1, 1]} : vector<300x10xf32> to vector<300x1xf32>
    %squeeze3A_101 = vector.shape_cast %slice3A_100 : vector<300x1xf32> to vector<300xf32>
    %slice3A_102 = vector.extract_strided_slice %dot_general3A_91 {offsets = [0, 6], sizes = [300, 1], strides = [1, 1]} : vector<300x10xf32> to vector<300x1xf32>
    %squeeze3A_103 = vector.shape_cast %slice3A_102 : vector<300x1xf32> to vector<300xf32>
    %slice3A_104 = vector.extract_strided_slice %dot_general3A_91 {offsets = [0, 7], sizes = [300, 1], strides = [1, 1]} : vector<300x10xf32> to vector<300x1xf32>
    %squeeze3A_105 = vector.shape_cast %slice3A_104 : vector<300x1xf32> to vector<300xf32>
    %atan23A = math.atan2 %squeeze3A_103, %squeeze3A_105 : vector<300xf32>
    %slice3A_106 = vector.extract_strided_slice %dot_general3A_91 {offsets = [0, 8], sizes = [300, 1], strides = [1, 1]} : vector<300x10xf32> to vector<300x1xf32>
    %squeeze3A_107 = vector.shape_cast %slice3A_106 : vector<300x1xf32> to vector<300xf32>
    %slice3A_108 = vector.extract_strided_slice %dot_general3A_91 {offsets = [0, 9], sizes = [300, 1], strides = [1, 1]} : vector<300x10xf32> to vector<300x1xf32>
    %squeeze3A_109 = vector.shape_cast %slice3A_108 : vector<300x1xf32> to vector<300xf32>
    %broadcast_in_dim3A_110 = arith.constant 0.000000e+00 : f32
    %broadcast_in_dim3A_111 = vector.broadcast %broadcast_in_dim3A_110 : f32 to vector<300xf32>
    %stack3A = vector.shape_cast %squeeze3A : vector<300xf32> to vector<300x1xf32>
    %stack3A_112 = vector.shape_cast %squeeze3A_93 : vector<300xf32> to vector<300x1xf32>
    %stack3A_113 = vector.shape_cast %squeeze3A_95 : vector<300xf32> to vector<300x1xf32>
    %stack3A_114 = vector.shape_cast %squeeze3A_97 : vector<300xf32> to vector<300x1xf32>
    %stack3A_115 = vector.shape_cast %squeeze3A_99 : vector<300xf32> to vector<300x1xf32>
    %stack3A_116 = vector.shape_cast %squeeze3A_101 : vector<300xf32> to vector<300x1xf32>
    %stack3A_117 = vector.shape_cast %atan23A : vector<300xf32> to vector<300x1xf32>
    %stack3A_118 = vector.shape_cast %squeeze3A_107 : vector<300xf32> to vector<300x1xf32>
    %stack3A_119 = vector.shape_cast %squeeze3A_109 : vector<300xf32> to vector<300x1xf32>
    %stack3A_120 = vector.shape_cast %broadcast_in_dim3A_111 : vector<300xf32> to vector<300x1xf32>
    %stack3A_121 = tpu.concatenate %stack3A, %stack3A_112, %stack3A_113, %stack3A_114, %stack3A_115, %stack3A_116, %stack3A_117, %stack3A_118, %stack3A_119, %stack3A_120 in 1 : vector<300x1xf32>, vector<300x1xf32>, vector<300x1xf32>, vector<300x1xf32>, vector<300x1xf32>, vector<300x1xf32>, vector<300x1xf32>, vector<300x1xf32>, vector<300x1xf32>, vector<300x1xf32> -> vector<300x10xf32>
    %swap3A = arith.constant 0 : index
    %swap3A_122 = arith.constant 0 : index
    %swap3A_123 = arith.constant 0 : index
    %swap3A_124 = vector.load %arg4[%swap3A, %swap3A_122, %swap3A_123] : memref<1x300x10xf32, #tpu.memory_space<vmem>>, vector<1x300x10xf32>
    %swap3A_125 = vector.shape_cast %swap3A_124 : vector<1x300x10xf32> to vector<300x10xf32>
    %swap3A_126 = vector.shape_cast %stack3A_121 : vector<300x10xf32> to vector<1x300x10xf32>
    tpu.vector_store %arg4[%swap3A, %swap3A_122, %swap3A_123], %swap3A_126 {strides = array<i32>} : memref<1x300x10xf32, #tpu.memory_space<vmem>>, vector<1x300x10xf32>,
    %swap3A_127 = arith.constant 0 : index
    %swap3A_128 = arith.constant 0 : index
    %swap3A_129 = arith.constant 0 : index
    %swap3A_130 = vector.load %arg5[%swap3A_127, %swap3A_128, %swap3A_129] : memref<1x1x300xf32, #tpu.memory_space<vmem>>, vector<1x1x300xf32>
    %swap3A_131 = vector.shape_cast %swap3A_130 : vector<1x1x300xf32> to vector<300xf32>
    %swap3A_132 = vector.shape_cast %reduce_sum3A_27 : vector<300xf32> to vector<1x1x300xf32>
    tpu.vector_store %arg5[%swap3A_127, %swap3A_128, %swap3A_129], %swap3A_132 {strides = array<i32>} : memref<1x1x300xf32, #tpu.memory_space<vmem>>, vector<1x1x300xf32>,
    %swap3A_133 = arith.constant 0 : index
    %swap3A_134 = arith.constant 0 : index
    %swap3A_135 = arith.constant 0 : index
    %swap3A_136 = vector.load %arg6[%swap3A_133, %swap3A_134, %swap3A_135] : memref<1x1x300xi32, #tpu.memory_space<vmem>>, vector<1x1x300xi32>
    %swap3A_137 = vector.shape_cast %swap3A_136 : vector<1x1x300xi32> to vector<300xi32>
    %swap3A_138 = vector.shape_cast %select_n3A_51 : vector<300xi32> to vector<1x1x300xi32>
    tpu.vector_store %arg6[%swap3A_133, %swap3A_134, %swap3A_135], %swap3A_138 {strides = array<i32>} : memref<1x1x300xi32, #tpu.memory_space<vmem>>, vector<1x1x300xi32>,
    return
  }
  func.func @transform_0(%arg0: i32) -> (i32, i32, i32) {
    %c0_i32 = arith.constant 0 : i32
    %c0_i32_0 = arith.constant 0 : i32
    %c0_i32_1 = arith.constant 0 : i32
    return %arg0, %c0_i32, %c0_i32_0 : i32, i32, i32
  }
  func.func @transform_1(%arg0: i32) -> (i32, i32, i32) {
    %c0_i32 = arith.constant 0 : i32
    %c0_i32_0 = arith.constant 0 : i32
    %c0_i32_1 = arith.constant 0 : i32
    return %arg0, %c0_i32, %c0_i32_0 : i32, i32, i32
  }
  func.func @transform_2(%arg0: i32) -> (i32, i32, i32) {
    %c0_i32 = arith.constant 0 : i32
    %c0_i32_0 = arith.constant 0 : i32
    %c0_i32_1 = arith.constant 0 : i32
    return %arg0, %c0_i32, %c0_i32_0 : i32, i32, i32
  }
  func.func @transform_3(%arg0: i32) -> (i32, i32, i32) {
    %c0_i32 = arith.constant 0 : i32
    %c0_i32_0 = arith.constant 0 : i32
    %c0_i32_1 = arith.constant 0 : i32
    return %arg0, %c0_i32, %c0_i32_0 : i32, i32, i32
  }
  func.func @transform_4(%arg0: i32) -> (i32, i32, i32) {
    %c0_i32 = arith.constant 0 : i32
    %c0_i32_0 = arith.constant 0 : i32
    %c0_i32_1 = arith.constant 0 : i32
    return %arg0, %c0_i32, %c0_i32_0 : i32, i32, i32
  }
  func.func @transform_5(%arg0: i32) -> (i32, i32, i32) {
    %c0_i32 = arith.constant 0 : i32
    %c0_i32_0 = arith.constant 0 : i32
    %c0_i32_1 = arith.constant 0 : i32
    return %arg0, %c0_i32, %c0_i32_0 : i32, i32, i32
  }
}

</mosaic_0001>

<sc_bundles>
// kernel: kernel.5.cloned.1.call-start
scs
__scs_entry_jumppad:
0x0: {  	(pc) =	sbr.rel $0x88, $3  }
0x1: {  	(tag) =	ssettag $0x0;
	lr =	simm.s32 $0x1  }
0x2: {  	[smem:$0x3F9F] =	sst lr;
	_ =	strace $0xD0000000  }
0x3: {  	_ = 	snop  }
0x4: {  	_ = 	snop  }
0x5: {  	_ = 	snop  }
0x6: {  	_ = 	snop  }
0x7: {  	_ = 	snop  }
__scs_overlays_trampoline_lowered:
0x8: {  	[smem:$0x3FAE] =	sst s0  }
0x9: {  	[smem:$0x3FAF] =	sst s1  }
0xa: {  	[smem:$0x3FB0] =	sst s2  }
0xb: {  	[smem:$0x3FB1] =	sst s3  }
0xc: {  	[smem:$0x3FB2] =	sst s4  }
0xd: {  	[smem:$0x3FB3] =	sst s5  }
0xe: {  	[smem:$0x3FB4] =	sst s6  }
0xf: {  	[smem:$0x3FB5] =	sst s7  }
0x10: {  	[smem:$0x3FB6] =	sst s8  }
0x11: {  	[smem:$0x3FB7] =	sst s9;
	s0 =	simm.s32 @!p0 $0x0  }
0x12: {  	s1 =	sld [smem:$0x3F9D];
	s0 =	simm.s32 @p0 $0x1  }
0x13: {  	[smem:$0x3FB8] =	sst s0;
	s0 =	simm.s32 @!p1 $0x0  }
0x14: {  	s2 =	sld [smem:$0x3F9C];
	s0 =	simm.s32 @p1 $0x1  }
0x15: {  	[smem:$0x3FB9] =	sst s0;
	s0 =	simm.s32 @!p2 $0x0  }
0x16: {  	s3 =	sld [smem:$0x3FDB];
	s0 =	simm.s32 @p2 $0x1  }
0x17: {  	s4 =	simm.s32 $0x1BF5;
	[smem:$0x3FBB] =	sst s0  }
0x18: {  	s0 =	sld [smem:$0x3F9E];
	_ =	swait.ge [sflag:s4], $0x0  }
0x19: {  	s7 =	sld [smem:$0x3F9F]  }
0x1a: {  	s8 =	sadd.s32 $0xFFFFE003, lr  }
0x1b: {  	s9 =	sadd.s32 $0xFFFFFEF7, lr;
	s5 =	simm.s32 $0xFFFFFFFF;
	p2 =	slt.u32 s8, $0xFFFFF086  }
0x1c: {  	p1 =	slt.u32 s9, $0xF7A;
	s5 =	simm.s32 @!p2 $0x0  }
0x1d: {  	s5 =	simm.s32 @p1 $0x1;
	p0 =	seq.s32 s7, s2  }
0x1e: {  	s7 =	smul.u32 @!p0 $0xF7A, s2;
	p2 =	seq.s32 @!p0 s5, $0x0  }
0x1f: {  	s9 =	smul.u32 $0xF7A, s1;
	s8 =	simm.s32 @!p0 $0x1BF5;
	p2 =	por !p2, p0  }
0x20: {  	[sflag:s8] =	ssyncset.s32 @!p0 $0xFFFFF086;
	s6 =	sadd.s32 @!p0 s3, s7;
	s7 =	simm.s32 @!p0 $0x108  }
0x21: {  	s3 =	sadd.s32 s3, s9;
	s6 =	sadd.s32 @!p0 $0x88, s6;
	s7 =	simm.s32 @p2 $0x1082  }
0x22: {  	[simem:s7], [sflag:s8] =	dma.local @!p0 [hbm:s6], $0xF7A  }
0x23: {  	s9 =	sor.u32 $0xD0000000, s2;
	s6 =	simm.s32 $0x108;
	_ =	swait.ge @!p0 [sflag:s8], $0x0  }
0x24: {  	s3 =	sadd.s32 $0x88, s3;
	s6 =	simm.s32 @!p1 $0x1082;
	[sflag:s4] =	ssyncset.s32 $0xFFFFF086  }
0x25: {  	[simem:s6], [sflag:s4] =	dma.local [hbm:s3], $0xF7A  }
0x26: {  	[smem:$0x3F9F] =	sst s1;
	(tag) =	ssettag s2;
	_ =	strace s9  }
0x27: {  	s1 =	sld [smem:$0x3FAF]  }
0x28: {  	s2 =	sld [smem:$0x3FB0]  }
0x29: {  	s4 =	sld [smem:$0x3FB2]  }
0x2a: {  	p0 =	seq.s32 s5, $0x0;
	s5 =	sld [smem:$0x3FB3]  }
0x2b: {  	s6 =	sld [smem:$0x3FB4]  }
0x2c: {  	s7 =	sld [smem:$0x3FB5]  }
0x2d: {  	s3 =	simm.s32 $0x108;
	s8 =	sld [smem:$0x3FB6]  }
0x2e: {  	s3 =	simm.s32 @!p0 $0x1082;
	s9 =	sld [smem:$0x3FB7]  }
0x2f: {  	lr =	sadd.s32 s0, s3;
	s0 =	sld [smem:$0x3FAE]  }
0x30: {  	s3 =	sld [smem:$0x3FB1]  }
0x31: {  	[smem:$0x3FBA] =	sst s10  }
0x32: {  	s10 =	sld [smem:$0x3FB8];
	_ =	sdelay $0x3  }
0x33: {  	p0 =	seq.s32 s10, $0x1;
	s10 =	sld [smem:$0x3FBA];
	_ =	sdelay $0x3  }
0x34: {  	[smem:$0x3FBA] =	sst s10  }
0x35: {  	s10 =	sld [smem:$0x3FB9];
	_ =	sdelay $0x3  }
0x36: {  	p1 =	seq.s32 s10, $0x1;
	s10 =	sld [smem:$0x3FBA];
	_ =	sdelay $0x3  }
0x37: {  	[smem:$0x3FBA] =	sst s10  }
0x38: {  	s10 =	sld [smem:$0x3FBB]  }
0x39: {  	_ = 	snop;
	(pc) =	sbr.ind lr, $3  }
0x3a: {  	_ = 	snop  }
0x3b: {  	_ = 	snop  }
0x3c: {  	p2 =	seq.s32 s10, $0x1;
	s10 =	sld [smem:$0x3FBA]  }
0x3d: {  	_ =	shalt  }
0x3e: {  	_ =	shalt  }
0x3f: {  	_ =	shalt  }
0x40: {  	_ =	shalt  }
0x41: {  	_ =	shalt  }
0x42: {  	_ =	shalt  }
0x43: {  	_ =	shalt  }
0x44: {  	_ =	shalt  }
0x45: {  	_ =	shalt  }
0x46: {  	_ =	shalt  }
0x47: {  	_ =	shalt  }
0x48: {  	_ =	shalt  }
0x49: {  	_ =	shalt  }
0x4a: {  	_ =	shalt  }
0x4b: {  	_ =	shalt  }
0x4c: {  	_ =	shalt  }
0x4d: {  	_ =	shalt  }
0x4e: {  	_ =	shalt  }
0x4f: {  	_ =	shalt  }
0x50: {  	_ =	shalt  }
0x51: {  	_ =	shalt  }
0x52: {  	_ =	shalt  }
0x53: {  	_ =	shalt  }
0x54: {  	_ =	shalt  }
0x55: {  	_ =	shalt  }
0x56: {  	_ =	shalt  }
0x57: {  	_ =	shalt  }
0x58: {  	_ =	shalt  }
0x59: {  	_ =	shalt  }
0x5a: {  	_ =	shalt  }
0x5b: {  	_ =	shalt  }
0x5c: {  	_ =	shalt  }
0x5d: {  	_ =	shalt  }
0x5e: {  	_ =	shalt  }
0x5f: {  	_ =	shalt  }
0x60: {  	_ =	shalt  }
0x61: {  	_ =	shalt  }
0x62: {  	_ =	shalt  }
0x63: {  	_ =	shalt  }
0x64: {  	_ =	shalt  }
0x65: {  	_ =	shalt  }
0x66: {  	_ =	shalt  }
0x67: {  	_ =	shalt  }
0x68: {  	_ =	shalt  }
0x69: {  	_ =	shalt  }
0x6a: {  	_ =	shalt  }
0x6b: {  	_ =	shalt  }
0x6c: {  	_ =	shalt  }
0x6d: {  	_ =	shalt  }
0x6e: {  	_ =	shalt  }
0x6f: {  	_ =	shalt  }
0x70: {  	_ =	shalt  }
0x71: {  	_ =	shalt  }
0x72: {  	_ =	shalt  }
0x73: {  	_ =	shalt  }
0x74: {  	_ =	shalt  }
0x75: {  	_ =	shalt  }
0x76: {  	_ =	shalt  }
0x77: {  	_ =	shalt  }
0x78: {  	_ =	shalt  }
0x79: {  	_ =	shalt  }
0x7a: {  	_ =	shalt  }
0x7b: {  	_ =	shalt  }
0x7c: {  	_ =	shalt  }
0x7d: {  	_ =	shalt  }
0x7e: {  	_ =	shalt  }
0x7f: {  	_ =	shalt  }
0x80: {  	_ =	shalt  }
0x81: {  	_ =	shalt  }
0x82: {  	_ =	shalt  }
0x83: {  	_ =	shalt  }
0x84: {  	_ =	shalt  }
0x85: {  	_ =	shalt  }
0x86: {  	_ =	shalt  }
0x87: {  	_ =	shalt  }
.Lfunc_end0:
.L_simem_size_0:
called_computation_lowered:
.L_overlay_start_0:
0x88: {  	s2 =	sld [smem:$0x3FD9]  }
0x89: {  	s3 =	sld [smem:$0x3FFE];
	_ =	sdelay $0x1  }
0x8a: {  	s1 =	srdreg.scid  }
0x8b: {  	s0 =	sand.u32 $0x1, s1  }
0x8c: {  	s14 =	sshll.u32 s0, $0xA;
	s2 =	sadd.s32 s3, s2  }
0x8d: {  	s2 =	sadd.s32 s2, s14  }
0x8e: {  	[smem:$0x3FC6] =	sst s2  }
0x8f: {  	_ = 	snop  }
0x90: {  	s2 =	sld [smem:$0x3FD0];
	_ =	sdelay $0x2  }
0x91: {  	s15 =	simm.s32 $0xA;
	s4 =	simm.s32 $0x10  }
0x92: {  	[smem:s4], [sflag:s15] =	dma.local [hbm:s2], $0x1  }
0x93: {  	_ =	swait.eq [sflag:s15], $0x1  }
0x94: {  	[sflag:s15] =	ssyncset.done $0x0  }
0x95: {  	s16 =	sld [smem:$0x10];
	[sflag:s15] =	ssyncadd.s32 $0xFFFFFFFF  }
0x96: {  	s17 =	sld [smem:$0x12];
	(tm) =	ssettm $0x1  }
0x97: {  	s18 =	sld [smem:$0x3FFB];
	_ =	sdelay $0x3  }
0x98: {  	_ =	strace s18  }
0x99: {  	s4 =	sld [smem:$0x3FFC];
	_ =	sdelay $0x3  }
0x9a: {  	_ =	strace s4  }
0x9b: {  	s4 =	sld [smem:$0x3FFD];
	_ =	sdelay $0x3  }
0x9c: {  	_ =	strace s4  }
0x9d: {  	_ =	strace $0x8FFFFFFF  }
0x9e: {  	s19 =	sld [smem:$0x3FDB];
	_ =	sdelay $0x1  }
0x9f: {  	s5 =	simm.s32 $_scs_section_size  }
0xa0: {  	s6 =	simm.s32 $_size__tile_overlayer_lowered;
	s7 =	simm.s32 $_tile_overlayer_lowered  }
0xa1: {  	s22 =	simm.s32 $0x1BFF;
	s21 =	sshll.u32 s7, $0x1;
	s4 =	sadd.s32 s5, s19  }
0xa2: {  	s8 =	simm.s32 $0x0;
	s20 =	sshll.u32 s6, $0x1;
	s6 =	sadd.s32 s21, s4  }
0xa3: {  	[timem:s8], [sflag:s22] =	dma.local [hbm:s6], s20  }
0xa4: {  	_ =	swait.ge [sflag:s22], s20  }
0xa5: {  	s5 =	ssub.s32 $0x0, s20;
	[sflag:s22] =	ssyncset.done $0x0  }
0xa6: {  	[sflag:s22] =	ssyncadd.s32 s5;
	_ =	sdelay $0x1  }
0xa7: {  	s23 =	simm.s32 $0x1B8B  }
0xa8: {  	_ =	swait.ge [sflag:s23], $0x1  }
0xa9: {  	[sflag:s23] =	ssyncset.done $0x0  }
0xaa: {  	s25 =	simm.s32 $0x1B8E;
	s24 =	sld [smem:$0x3FFE];
	[sflag:s23] =	ssyncadd.s32 $0xFFFFFFFF  }
0xab: {  	s26 =	simm.s32 $execute0_lowered;
	[smem:$0x3FD2] =	sst s25  }
0xac: {  	s6 =	sshll.u32 s26, $0x1;
	_ =	strace $0x80000046;
	[dreg:$0x1] =	wrdreg $0xFFFFFFFF  }
0xad: {  	s28 =	simm.s32 $_size_execute0_lowered;
	s4 =	sadd.s32 s4, s6;
	[dreg:$0x0] =	wrdreg $0x0  }
0xae: {  	s6 =	sshll.u32 s28, $0x1;
	[dreg:$0x2] =	wrdreg s4  }
0xaf: {  	[dreg:$0x3] =	wrdreg s6  }
0xb0: {  	[dreg:$0x4] =	wrdreg $0xC0  }
0xb1: {  	_ =	task [dreg:s8], $0x5FFFF  }
0xb2: {  	[dreg:$0x1] =	wrdreg $0xFFFFFFFF  }
0xb3: {  	[dreg:$0x0] =	wrdreg $0x60  }
0xb4: {  	[dreg:$0x2] =	wrdreg s24  }
0xb5: {  	[dreg:$0x3] =	wrdreg s17  }
0xb6: {  	[dreg:$0x4] =	wrdreg s16  }
0xb7: {  	[dreg:$0x5] =	wrdreg $0x9  }
0xb8: {  	_ =	task.clear_ibuf [dreg:s8], $0x6FFFF;
	_ =	strace $0x90000046  }
0xb9: {  	s29 =	simm.s32 $0x9;
	_ =	strace $0x80000048  }
0xba: {  	_ =	swait.ge [sflag:s29], $0x1  }
0xbb: {  	[sflag:s29] =	ssyncadd.s32 $0xFFFFFFFF  }
0xbc: {  	_ =	strace $0x90000048  }
0xbd: {  	_ =	sfence  }
0xbe: {  	s30 =	sld [smem:$0x0];
	_ =	sdelay $0x2  }
0xbf: {  	s31 =	sshll.u32 s1, $0xD;
	s1 =	sshrl.u32 s1, $0x2  }
0xc0: {  	s3 =	sand.u32 $0x4000, s31;
	s1 =	sadd.s32 s1, s30  }
0xc1: {  	s0 =	sor.u32 s3, s0;
	s1 =	sshll.u32 s1, $0x11  }
0xc2: {  	s0 =	sor.u32 s1, s0  }
0xc3: {  	s0 =	sadd.s32 $0x8F2B, s0  }
0xc4: {  	[sflag:s0] =	ssyncadd.remote.s32 $0x1  }
0xc5: {  	_ =	sfence.sel $0xFFFF  }
0xc6: {  	[dreg:$0x0] =	wrdreg $0xFFFFFFFF;
	(pc) =	sbr.abs _section_cstart, $3  }
0xc7: {  	[dreg:$0x1] =	wrdreg $0xFFFFFFFF  }
0xc8: {  	_ =	task.clear_ibuf [dreg:s8], $0x2FFFF;
	_ =	strace $0x9FFFFFFF  }
0xc9: {  	(tm) =	ssettm $0x7FFFFFFF  }
tec
execute0_lowered:
.L_overlay_start_1:
0x0: {  	(tag) =	ssettag $0x1  }
0x1: {  	s4 =	rddreg [dreg:$0x0]  }
0x2: {  	s0 =	stileid.u32;
	s7 =	rddreg [dreg:$0x1]  }
0x3: {  	s1 =	srdreg.scid;
	s9 =	rddreg [dreg:$0x2];
	s25 =	sshrl.u32 s0, $0x1  }
0x4: {  	s2 =	sshll.u32 s0, $0x1;
	s5 =	sand.u32 $0x1, s1;
	s8 =	smul.u32 $0xC380, s25  }
0x5: {  	s11 =	sand.u32 $0x1, s0;
	s24 =	sand.u32 $0x2, s2;
	s10 =	smul.u32 $0x300, s25  }
0x6: {  	s1 =	rddreg [dreg:$0x3];
	s11 =	smul.u32 $0x61C0, s11;
	s3 =	sor.u32 s5, s24  }
0x7: {  	s31 =	sand.u32 $0xE, s0;
	s2 =	simm.s32 $0x0;
	s6 =	smul.u32 $0x30E0, s3  }
0x8: {  	s28 =	ssub.s32 $0x2, s5;
	[smem:$0x7FF] =	sst s2;
	s3 =	smul.u32 $0xC0, s3  }
0x9: {  	s13 =	smul.u32 $0x30E0, s5;
	s30 =	sshrl.u32 s28, $0x1;
	_ =	strace $0x80000047  }
0xa: {  	s12 =	ssub.s32 s28, s30;
	s6 =	sadd.s32 s8, s6;
	s3 =	sadd.s32 s10, s3  }
0xb: {  	s8 =	sadd.s32 s13, s11;
	s10 =	simm.s32 $0x3300;
	s11 =	simm.s32 $0x3100  }
0xc: {  	s13 =	simm.s32 $0x0;
	s6 =	sshrl.u32 s6, $0x3;
	s26 =	sshrl.u32 s3, $0x3  }
0xd: {  	s6 =	sadd.s32 s6, s4;
	s29 =	sadd.s32 s26, s4;
	s4 =	sadd.s32 s7, s31  }
0xe: {  	s5 =	sadd.s32 s9, s26;
	s7 =	smax.u32 s12, $0x1;
	s9 =	simm.s32 $0x1  }
0xf: {  	v0 =	vimm.f32 $-1.000000020e+30;
	v1 =	vimm.s32 $0x0;
	v2 =	vlaneseq.u32;
	s12 =	simm.s32 $0x3200;
	s3 =	sadd.s32 $0xE00, s6;
	s6 =	sadd.s32 $0xD200, s29  }
.LBB2_1:
0x10: {  	[tilespmem:s2], [sflag:$0x1] =	stream.linear.gather [hbm4b:s3+s2], $0x30E0, $0x38;
	[tilespmem:$0x3380] =	vst v63  }
0x11: {  	_ =	swait.ge [sflag:s9], $0x30E0  }
0x12: {  	[sflag:s9] =	ssyncset.done $0x0  }
0x13: {  	[sflag:s9] =	ssyncadd.s32 $0xFFFFCF20  }
0x14: {  	[tilespmem:s10], [sflag:$0x1] =	stream.linear.gather [hbm4b:s4+s2], $0x10, $0x38;
	[tilespmem:$0x3380] =	vst v63  }
0x15: {  	_ =	swait.ge [sflag:s9], $0x10  }
0x16: {  	[sflag:s9] =	ssyncset.done $0x0  }
0x17: {  	[sflag:s9] =	ssyncadd.s32 $0xFFFFFFF0  }
0x18: {  	[tilespmem:$0x3100] =	vst v0  }
0x19: {  	[tilespmem:$0x3200] =	vst v1  }
0x1a: {  	[tilespmem:$0x3110] =	vst v0  }
0x1b: {  	[tilespmem:$0x3210] =	vst v1  }
0x1c: {  	[tilespmem:$0x3120] =	vst v0  }
0x1d: {  	[tilespmem:$0x3220] =	vst v1  }
0x1e: {  	[tilespmem:$0x3130] =	vst v0  }
0x1f: {  	[tilespmem:$0x3230] =	vst v1  }
0x20: {  	[tilespmem:$0x3140] =	vst v0  }
0x21: {  	[tilespmem:$0x3240] =	vst v1  }
0x22: {  	[tilespmem:$0x3150] =	vst v0  }
0x23: {  	[tilespmem:$0x3250] =	vst v1  }
0x24: {  	[tilespmem:$0x3160] =	vst v0  }
0x25: {  	[tilespmem:$0x3260] =	vst v1  }
0x26: {  	[tilespmem:$0x3170] =	vst v0  }
0x27: {  	[tilespmem:$0x3270] =	vst v1  }
0x28: {  	[tilespmem:$0x3180] =	vst v0  }
0x29: {  	[tilespmem:$0x3280] =	vst v1  }
0x2a: {  	[tilespmem:$0x3190] =	vst v0  }
0x2b: {  	[tilespmem:$0x3290] =	vst v1  }
0x2c: {  	[tilespmem:$0x31A0] =	vst v0  }
0x2d: {  	[tilespmem:$0x32A0] =	vst v1  }
0x2e: {  	[tilespmem:$0x31B0] =	vst v0  }
0x2f: {  	[tilespmem:$0x32B0] =	vst v1  }
0x30: {  	[tilespmem:$0x31C0] =	vst v0  }
0x31: {  	s14 =	simm.s32 $0x0;
	[tilespmem:$0x32C0] =	vst v1  }
0x32: {  	v4 =	vld [tilespmem:s14+$0x0];
	_ =	sdelay $0x1  }
0x33: {  	v3 =	vld [tilespmem:$0x3300];
	_ =	sdelay $0x2  }
0x34: {  	vm0 =	vlt.s32 v4, $0x0;
	v5 =	vxor.u32 $0x7FFFFFFF, v4  }
0x35: {  	v5 =	vsel vm0, v5, v4  }
0x36: {  	vm0 =	vge.s32 v5, v3  }
0x37: {  	v5 =	vmpcnt.ones.xlane vm0;
	_ =	sdelay $0x1  }
0x38: {  	(v2sf) =	vpush v5, $0x0;
	_ =	sdelay $0x3  }
0x39: {  	s17 =	simm.s32 $0x10;
	[tilespmem:s2+$0x3100] =	vst.msk vm0, v4;
	v4 =	vor.u32 s8, v2  }
0x3a: {  	s16 =	simm.s32 $0x80;
	s15 =	simm.s32 $0x0;
	s14 =	smov.u32 s8;
	[tilespmem:s2+$0x3200] =	vst.msk vm0, v4  }
.LBB2_2:
0x3b: {  	p0 =	sne.s32 s16, $0xC340;
	v4 =	vld [tilespmem:s17+$0x0];
	_ =	sdelay $0x4  }
0x3c: {  	vm0 =	vlt.s32 v4, $0x0;
	v5 =	vxor.u32 $0x7FFFFFFF, v4  }
0x3d: {  	v5 =	vsel vm0, v5, v4  }
0x3e: {  	vm0 =	vge.s32 v5, v3  }
0x3f: {  	v5 =	vmpcnt.ones.xlane vm0  }
0x40: {  	s17 =	spop (v2sf)  }
0x41: {  	(v2sf) =	vpush v5, $0x0;
	s15 =	sadd.s32 s15, s17  }
.Ltmp0:
0x42: {  	p1 =	slt.s32 s15, $0xC0;
	(pc) =	sbr.rel @p0 .LBB2_2-.Ltmp0, $4  }
0x43: {  	s14 =	sadd.s32 $0x10, s14;
	s15 =	simm.s32 @!p1 $0xC0  }
0x44: {  	[tilespmem:s15+$0x3100] =	vst.msk vm0, v4;
	v4 =	vor.u32 s14, v2  }
0x45: {  	[tilespmem:s15+$0x3200] =	vst.msk vm0, v4  }
0x46: {  	s17 =	sshra.s32 s16, $0x2;
	s16 =	sadd.s32 $0x40, s16  }
0x47: {  	v4 =	vld [tilespmem:s17+$0x0];
	_ =	sdelay $0x4  }
0x48: {  	vm0 =	vlt.s32 v4, $0x0;
	v5 =	vxor.u32 $0x7FFFFFFF, v4  }
0x49: {  	v5 =	vsel vm0, v5, v4  }
0x4a: {  	vm0 =	vge.s32 v5, v3  }
0x4b: {  	v3 =	vmpcnt.ones.xlane vm0;
	_ =	sdelay $0x1  }
0x4c: {  	(v2sf) =	vpush v3, $0x0;
	_ =	sdelay $0x7  }
0x4d: {  	s16 =	spop (v2sf)  }
0x4e: {  	s15 =	sadd.s32 s15, s16  }
0x4f: {  	p0 =	slt.s32 s15, $0xC0  }
0x50: {  	s14 =	sadd.s32 $0x10, s14;
	s15 =	simm.s32 @!p0 $0xC0  }
0x51: {  	v3 =	vor.u32 s14, v2;
	[tilespmem:s15+$0x3100] =	vst.msk vm0, v4  }
0x52: {  	[tilespmem:s15+$0x3200] =	vst.msk vm0, v3  }
0x53: {  	[hbm4b:s5+s2] =	stream.linear.scatter [tilespmem:s11], [sflag:$0x1], $0xC0, $0x38;
	[tilespmem:$0x3380] =	vst v63  }
0x54: {  	s31 =	spop (v2sf)  }
0x55: {  	s13 =	sadd.s32 $0x1, s13;
	_ =	swait.ge [sflag:s9], $0xC0  }
0x56: {  	p0 =	sne.s32 s13, s7;
	[sflag:s9] =	ssyncset.done $0x0  }
.Ltmp1:
0x57: {  	[sflag:s9] =	ssyncadd.s32 $0xFFFFFF40;
	(pc) =	sbr.rel @p0 .LBB2_1-.Ltmp1, $4  }
0x58: {  	[hbm4b:s6+s2] =	stream.linear.scatter [tilespmem:s12], [sflag:$0x1], $0xC0, $0x38;
	[tilespmem:$0x3380] =	vst v63  }
0x59: {  	_ =	swait.ge [sflag:s9], $0xC0  }
0x5a: {  	[sflag:s9] =	ssyncset.done $0x0  }
0x5b: {  	[sflag:s9] =	ssyncadd.s32 $0xFFFFFF40  }
0x5c: {  	_ =	sfence.sel $0x180000  }
0x5d: {  	[bflag:$0x0] =	sbarrier.arrive $0xFFFF  }
0x5e: {  	p0 =	sne.s32 s0, $0x0;
	_ =	strace $0x90000047  }
0x5f: {  	s0 =	sadd.s32 @!p0 $0x100000, s1;
	[bflag:$0x2] =	sbarrier.arrive $0xFFFF  }
0x60: {  	[sflag:s0] =	ssyncadd.tile.s32 @!p0 $0x1;
	_ =	shalt  }
.Lfunc_end2:
_tile_overlayer_lowered:
.L_overlay_start_2:
0x61: {  	(tag) =	ssettag $0x2  }
0x62: {  	s0 =	rddreg [dreg:$0x0];
	s2 =	stileid.u32  }
0x63: {  	s1 =	rddreg [dreg:$0x1];
	p0 =	sne.s32 s2, $0x0  }
0x64: {  	s3 =	rddreg [dreg:$0x2];
	[bflag:$0x3] =	sbarrier.arrive $0xFFFF;
	s2 =	simm.s32 @!p0 $0x1C01  }
0x65: {  	[timem:s3], [sflag:s2] =	dma.local @!p0 [hbm:s0], s1  }
0x66: {  	s0 =	simm.s32 @!p0 $0x1  }
0x67: {  	_ =	swait.ge @!p0 [sflag:s0], s1  }
0x68: {  	s1 =	ssub.s32 @!p0 $0x0, s1;
	[sflag:s0] =	ssyncset.done @!p0 $0x0  }
0x69: {  	[sflag:s0] =	ssyncadd.s32 @!p0 s1  }
0x6a: {  	[bflag:$0x3] =	sbarrier.arrive $0xFFFF  }
0x6b: {  	_ =	shalt  }

</sc_bundles>
